<compile_context>
chip_gen: v7x
topology: tpu7x:2x2x1
jax: 0.10.2.dev20260603
libtpu: 0.0.44.dev20260713+nightly
codegen_flags: <defaults>
</compile_context>

<pallas_src>
import functools

import jax
import jax.numpy as jnp
from jax import lax
from jax.experimental import pallas as pl
from jax.experimental.pallas import tpu as pltpu
from jax.experimental.pallas import tpu_sc as plsc

N_ATOMS = 10000
N_BONDS = 320000
N_TYPES = 20

_NC = 2
_NS = 16
_NW = _NC * _NS
_L = 16
_BLK = 128
_NBLK = N_BONDS // _BLK
_BPW = -(-_NBLK // _NW)
_E_PER = _BPW * _BLK


def _sqrt16(s):
    i = lax.bitcast_convert_type(s, jnp.int32)
    i = jnp.int32(0x5F3759DF) - lax.shift_right_logical(i, 1)
    r = lax.bitcast_convert_type(i, jnp.float32)
    half = s * jnp.float32(0.5)
    for _ in range(3):
        r = r * (jnp.float32(1.5) - half * r * r)
    return s * r


def _body(pos_h, typ_h, tk_h, map_h, out_h,
          pos_v, typ_v, tk_v, idx_v, out_v, sem):
    wid = lax.axis_index("s") * _NC + lax.axis_index("c")
    ebase = pl.multiple_of((wid * _NBLK) // _NW * _BLK, _BLK)

    copies = [
        pltpu.make_async_copy(pos_h, pos_v, sem),
        pltpu.make_async_copy(typ_h, typ_v, sem),
        pltpu.make_async_copy(tk_h, tk_v, sem),
        pltpu.make_async_copy(map_h.at[:, pl.ds(ebase, _E_PER)], idx_v, sem),
    ]
    for cp in copies:
        cp.start()
    for cp in copies:
        cp.wait()

    c0 = jnp.zeros((_L,), jnp.int32)
    c1 = jnp.full((_L,), 1, jnp.int32)
    c2 = jnp.full((_L,), 2, jnp.int32)

    def chunk(off):
        i = idx_v[0, pl.ds(off, _L)]
        j = idx_v[1, pl.ds(off, _L)]
        xi = plsc.load_gather(pos_v, [c0, i])
        yi = plsc.load_gather(pos_v, [c1, i])
        zi = plsc.load_gather(pos_v, [c2, i])
        xj = plsc.load_gather(pos_v, [c0, j])
        yj = plsc.load_gather(pos_v, [c1, j])
        zj = plsc.load_gather(pos_v, [c2, j])
        ti = plsc.load_gather(typ_v, [i])
        tj = plsc.load_gather(typ_v, [j])
        t = ti * N_TYPES + tj
        x0e = plsc.load_gather(tk_v, [t])
        ke = plsc.load_gather(tk_v, [t + jnp.int32(N_TYPES * N_TYPES)])
        dx = xi - xj
        dy = yi - yj
        dz = zi - zj
        s = dx * dx + dy * dy + dz * dz + jnp.float32(1e-12)
        d = _sqrt16(s)
        diff = d - x0e
        out_v[pl.ds(off, _L)] = ke * diff * diff

    plsc.parallel_loop(0, _E_PER, step=_L, unroll=8)(chunk)
    pltpu.sync_copy(out_v, out_h.at[pl.ds(ebase, _E_PER)])


@functools.partial(
    pl.kernel,
    mesh=plsc.VectorSubcoreMesh(core_axis_name="c", subcore_axis_name="s"),
    out_type=jax.ShapeDtypeStruct((N_BONDS,), jnp.float32),
    compiler_params=pltpu.CompilerParams(needs_layout_passes=False),
    scratch_types=[
        pltpu.VMEM((3, N_ATOMS), jnp.float32),
        pltpu.VMEM((N_ATOMS,), jnp.int32),
        pltpu.VMEM((2 * N_TYPES * N_TYPES,), jnp.float32),
        pltpu.VMEM((2, _E_PER), jnp.int32),
        pltpu.VMEM((_E_PER,), jnp.float32),
        pltpu.SemaphoreType.DMA,
    ],
)
def _harmonic_sc(pos_t, typ, tk, mapping, out,
                 pos_v, typ_v, tk_v, idx_v, out_v, sem):
    _body(pos_t, typ, tk, mapping, out,
          pos_v, typ_v, tk_v, idx_v, out_v, sem)


def kernel(pos, mapping, atom_types, x_0, k_const):
    pos_t = pos.astype(jnp.float32).T
    typ = atom_types.astype(jnp.int32)
    mp = mapping.astype(jnp.int32)
    tk = jnp.concatenate([x_0.astype(jnp.float32).reshape(-1),
                          k_const.astype(jnp.float32).reshape(-1)])
    return _harmonic_sc(pos_t, typ, tk, mp)

# --- scband reference (transcript-rebuilt; emitter-appended) ---
"""Pipeline reference for scband-harmonic-19104014532717 (READ-ONLY COPY).

The authoritative reference and input builder live on the scoring server;
editing this copy changes nothing except your own understanding.
"""

import jax, jax.numpy as jnp
import numpy as np

N_ATOMS = 10000
N_BONDS = 320000
N_TYPES = 20


def setup_inputs(seed: int = 0) -> dict:
    key = jax.random.key(seed)
    k1, k2, k3, k4, k5 = jax.random.split(key, 5)
    pos = jax.random.normal(k1, (N_ATOMS, 3), dtype=jnp.float32) * 5.0
    mapping = jax.random.randint(k2, (2, N_BONDS), 0, N_ATOMS, dtype=jnp.int64)
    atom_types = jax.random.randint(k3, (N_ATOMS,), 0, N_TYPES, dtype=jnp.int64)
    # learned/registered buffers: per-(type_i, type_j) equilibrium distance and spring constant
    x_0 = jax.random.uniform(k4, (N_TYPES, N_TYPES), dtype=jnp.float32, minval=0.5, maxval=2.5)
    k_const = jax.random.uniform(k5, (N_TYPES, N_TYPES), dtype=jnp.float32, minval=10.0, maxval=500.0)
    return {"pos": pos, "mapping": mapping, "atom_types": atom_types, "x_0": x_0, "k_const": k_const}


def compute_distances(pos, mapping):
    # pairwise bond distances for each (src, dst) column of mapping: [2, E]
    diff = pos[mapping[0]] - pos[mapping[1]]
    # small eps for numerical stability at coincident points
    return jnp.sqrt(jnp.sum(diff * diff, axis=-1) + 1e-12)


def reference(pos, mapping, atom_types, x_0, k_const):
    # Harmonic.forward for name='bonds' (order=2):
    #   interaction_types = [atom_types[mapping[0]], atom_types[mapping[1]]]
    #   features = compute_distances(pos, mapping).flatten()
    #   y = k[types] * (features - x_0[types])**2 + 0
    t0 = atom_types[mapping[0]]
    t1 = atom_types[mapping[1]]
    features = compute_distances(pos, mapping).reshape(-1)
    x0_e = x_0[t0, t1]
    k_e = k_const[t0, t1]
    y = k_e * (features - x0_e) ** 2 + 0.0
    return y


if False:  # reference __main__ guard neutralized (emitter)
    out = reference(**setup_inputs())
    print(out.shape, out.dtype)

if __name__ == "__main__":
    import jax
    _d = setup_inputs()
    print(jax.jit(kernel)(*tuple(_d.values())))

</pallas_src>

<mosaic_0001>
#map = affine_map<(d0, d1) -> (0, 0)>
#map1 = affine_map<(d0, d1) -> (0)>
module attributes {stable_mosaic.version = 14 : i64} {
  func.func @_harmonic_sc(%arg0: i32, %arg1: i32, %arg2: memref<3x10000xf32, #tpu.memory_space<hbm>>, %arg3: memref<10000xi32, #tpu.memory_space<hbm>>, %arg4: memref<800xf32, #tpu.memory_space<hbm>>, %arg5: memref<2x320000xi32, #tpu.memory_space<hbm>>, %arg6: memref<320000xf32, #tpu.memory_space<hbm>>, %arg7: memref<3x10000xf32, #tpu.memory_space<vmem>>, %arg8: memref<10000xi32, #tpu.memory_space<vmem>>, %arg9: memref<800xf32, #tpu.memory_space<vmem>>, %arg10: memref<2x10112xi32, #tpu.memory_space<vmem>>, %arg11: memref<10112xf32, #tpu.memory_space<vmem>>, %arg12: memref<!tpu.dma_semaphore, #tpu.memory_space<semaphore_mem>>) attributes {dimension_semantics = [#tpu.dimension_semantics<core_parallel>, #tpu.dimension_semantics<subcore_parallel>], iteration_bounds = array<i64: 2, 16>, scalar_prefetch = 0 : i64, scratch_operands = 6 : i64, tpu.core_type = #tpu.core_type<sc_vector_subcore>, window_params = [{transform_indices = #map}, {transform_indices = #map1}, {transform_indices = #map1}, {transform_indices = #map}, {transform_indices = #map1}]} {
    %mul3A = arith.constant 2 : i32
    %mul3A_0 = arith.muli %arg1, %mul3A : i32
    %add3A = arith.addi %mul3A_0, %arg0 : i32
    %mul3A_1 = arith.constant 2500 : i32
    %mul3A_2 = arith.muli %add3A, %mul3A_1 : i32
    %jit3A = arith.constant 32 : i32
    %div3A = arith.divsi %mul3A_2, %jit3A : i32
    %sign3A = arith.constant 0 : i32
    %sign3A_3 = arith.cmpi sgt, %mul3A_2, %sign3A : i32
    %sign3A_4 = arith.extui %sign3A_3 : i1 to i32
    %sign3A_5 = arith.constant 0 : i32
    %sign3A_6 = arith.cmpi slt, %mul3A_2, %sign3A_5 : i32
    %sign3A_7 = arith.extui %sign3A_6 : i1 to i32
    %sign3A_8 = arith.subi %sign3A_4, %sign3A_7 : i32
    %sign3A_9 = arith.constant 0 : i32
    %sign3A_10 = arith.cmpi sgt, %jit3A, %sign3A_9 : i32
    %sign3A_11 = arith.extui %sign3A_10 : i1 to i32
    %sign3A_12 = arith.constant 0 : i32
    %sign3A_13 = arith.cmpi slt, %jit3A, %sign3A_12 : i32
    %sign3A_14 = arith.extui %sign3A_13 : i1 to i32
    %sign3A_15 = arith.subi %sign3A_11, %sign3A_14 : i32
    %ne3A = arith.cmpi ne, %sign3A_8, %sign3A_15 : i32
    %rem3A = arith.remsi %mul3A_2, %jit3A : i32
    %ne3A_16 = arith.constant 0 : i32
    %ne3A_17 = arith.cmpi ne, %rem3A, %ne3A_16 : i32
    %and3A = arith.andi %ne3A, %ne3A_17 : i1
    %sub3A = arith.constant 1 : i32
    %sub3A_18 = arith.subi %div3A, %sub3A : i32
    %select_n3A = arith.select %and3A, %sub3A_18, %div3A : i32
    %mul3A_19 = arith.constant 128 : i32
    %mul3A_20 = arith.muli %select_n3A, %mul3A_19 : i32
    %multiple_of3A = tpu.assume_multiple %mul3A_20, 128 : i32
    tpu.enqueue_dma source(%arg2 : memref<3x10000xf32, #tpu.memory_space<hbm>>) target(%arg7 : memref<3x10000xf32, #tpu.memory_space<vmem>>) target_semaphore(%arg12 : memref<!tpu.dma_semaphore, #tpu.memory_space<semaphore_mem>>)
    tpu.enqueue_dma source(%arg3 : memref<10000xi32, #tpu.memory_space<hbm>>) target(%arg8 : memref<10000xi32, #tpu.memory_space<vmem>>) target_semaphore(%arg12 : memref<!tpu.dma_semaphore, #tpu.memory_space<semaphore_mem>>)
    tpu.enqueue_dma source(%arg4 : memref<800xf32, #tpu.memory_space<hbm>>) target(%arg9 : memref<800xf32, #tpu.memory_space<vmem>>) target_semaphore(%arg12 : memref<!tpu.dma_semaphore, #tpu.memory_space<semaphore_mem>>)
    %dma_start3A = arith.constant 0 : i32
    %dma_start3A_21 = tpu.memref_slice %arg5[%dma_start3A, %multiple_of3A] : memref<2x320000xi32, #tpu.memory_space<hbm>> -> memref<2x10112xi32, #tpu.memory_space<hbm>>
    %dma_start3A_22 = arith.constant 0 : i32
    %dma_start3A_23 = tpu.memref_slice %arg5[%dma_start3A_22, %multiple_of3A] : memref<2x320000xi32, #tpu.memory_space<hbm>> -> memref<2x10112xi32, #tpu.memory_space<hbm>>
    tpu.enqueue_dma source(%dma_start3A_23 : memref<2x10112xi32, #tpu.memory_space<hbm>>) target(%arg10 : memref<2x10112xi32, #tpu.memory_space<vmem>>) target_semaphore(%arg12 : memref<!tpu.dma_semaphore, #tpu.memory_space<semaphore_mem>>)
    tpu.wait_dma2 semaphore(%arg12 : memref<!tpu.dma_semaphore, #tpu.memory_space<semaphore_mem>>) src(%arg2 : memref<3x10000xf32, #tpu.memory_space<hbm>>) dst(%arg7 : memref<3x10000xf32, #tpu.memory_space<vmem>>)
    tpu.wait_dma2 semaphore(%arg12 : memref<!tpu.dma_semaphore, #tpu.memory_space<semaphore_mem>>) src(%arg3 : memref<10000xi32, #tpu.memory_space<hbm>>) dst(%arg8 : memref<10000xi32, #tpu.memory_space<vmem>>)
    tpu.wait_dma2 semaphore(%arg12 : memref<!tpu.dma_semaphore, #tpu.memory_space<semaphore_mem>>) src(%arg4 : memref<800xf32, #tpu.memory_space<hbm>>) dst(%arg9 : memref<800xf32, #tpu.memory_space<vmem>>)
    %dma_wait3A = arith.constant 0 : i32
    %dma_wait3A_24 = tpu.memref_slice %arg5[%dma_wait3A, %multiple_of3A] : memref<2x320000xi32, #tpu.memory_space<hbm>> -> memref<2x10112xi32, #tpu.memory_space<hbm>>
    %dma_wait3A_25 = arith.constant 0 : i32
    %dma_wait3A_26 = tpu.memref_slice %arg5[%dma_wait3A_25, %multiple_of3A] : memref<2x320000xi32, #tpu.memory_space<hbm>> -> memref<2x10112xi32, #tpu.memory_space<hbm>>
    tpu.wait_dma2 semaphore(%arg12 : memref<!tpu.dma_semaphore, #tpu.memory_space<semaphore_mem>>) src(%dma_wait3A_26 : memref<2x10112xi32, #tpu.memory_space<hbm>>) dst(%arg10 : memref<2x10112xi32, #tpu.memory_space<vmem>>)
    %broadcast_in_dim3A = arith.constant 0 : i32
    %broadcast_in_dim3A_27 = vector.broadcast %broadcast_in_dim3A : i32 to vector<16xi32>
    %broadcast_in_dim3A_28 = arith.constant 1 : i32
    %broadcast_in_dim3A_29 = vector.broadcast %broadcast_in_dim3A_28 : i32 to vector<16xi32>
    %broadcast_in_dim3A_30 = arith.constant 2 : i32
    %broadcast_in_dim3A_31 = vector.broadcast %broadcast_in_dim3A_30 : i32 to vector<16xi32>
    %parallel_loop3A = arith.constant 0 : i32
    %parallel_loop3A_32 = arith.constant 10112 : i32
    %parallel_loop3A_33 = arith.constant 16 : i32
    scf.for %parallel_loop3A_34 = %parallel_loop3A to %parallel_loop3A_32 step %parallel_loop3A_33  : i32 {
      %parallel_loop3A_35 = arith.constant 0 : i32
      %parallel_loop3A_36 = arith.index_cast %parallel_loop3A_35 : i32 to index
      %parallel_loop3A_37 = arith.index_cast %parallel_loop3A_34 : i32 to index
      %parallel_loop3A_38 = tpu.vector_load %arg10[%parallel_loop3A_36, %parallel_loop3A_37] {strides = array<i32>} : memref<2x10112xi32, #tpu.memory_space<vmem>>, vector<16xi32>,
      %parallel_loop3A_39 = arith.constant 1 : i32
      %parallel_loop3A_40 = arith.index_cast %parallel_loop3A_39 : i32 to index
      %parallel_loop3A_41 = arith.index_cast %parallel_loop3A_34 : i32 to index
      %parallel_loop3A_42 = tpu.vector_load %arg10[%parallel_loop3A_40, %parallel_loop3A_41] {strides = array<i32>} : memref<2x10112xi32, #tpu.memory_space<vmem>>, vector<16xi32>,
      %parallel_loop3A_43 = tpu.vector_load_idx %arg7[%broadcast_in_dim3A_27, %parallel_loop3A_38] : memref<3x10000xf32, #tpu.memory_space<vmem>>[vector<16xi32>, vector<16xi32>], vector<16xf32>,
      %parallel_loop3A_44 = tpu.vector_load_idx %arg7[%broadcast_in_dim3A_29, %parallel_loop3A_38] : memref<3x10000xf32, #tpu.memory_space<vmem>>[vector<16xi32>, vector<16xi32>], vector<16xf32>,
      %parallel_loop3A_45 = tpu.vector_load_idx %arg7[%broadcast_in_dim3A_31, %parallel_loop3A_38] : memref<3x10000xf32, #tpu.memory_space<vmem>>[vector<16xi32>, vector<16xi32>], vector<16xf32>,
      %parallel_loop3A_46 = tpu.vector_load_idx %arg7[%broadcast_in_dim3A_27, %parallel_loop3A_42] : memref<3x10000xf32, #tpu.memory_space<vmem>>[vector<16xi32>, vector<16xi32>], vector<16xf32>,
      %parallel_loop3A_47 = tpu.vector_load_idx %arg7[%broadcast_in_dim3A_29, %parallel_loop3A_42] : memref<3x10000xf32, #tpu.memory_space<vmem>>[vector<16xi32>, vector<16xi32>], vector<16xf32>,
      %parallel_loop3A_48 = tpu.vector_load_idx %arg7[%broadcast_in_dim3A_31, %parallel_loop3A_42] : memref<3x10000xf32, #tpu.memory_space<vmem>>[vector<16xi32>, vector<16xi32>], vector<16xf32>,
      %parallel_loop3A_49 = tpu.vector_load_idx %arg8[%parallel_loop3A_38] : memref<10000xi32, #tpu.memory_space<vmem>>[vector<16xi32>], vector<16xi32>,
      %parallel_loop3A_50 = tpu.vector_load_idx %arg8[%parallel_loop3A_42] : memref<10000xi32, #tpu.memory_space<vmem>>[vector<16xi32>], vector<16xi32>,
      %parallel_loop3A_51 = arith.constant 20 : i32
      %parallel_loop3A_52 = vector.broadcast %parallel_loop3A_51 : i32 to vector<16xi32>
      %parallel_loop3A_53 = arith.muli %parallel_loop3A_49, %parallel_loop3A_52 : vector<16xi32>
      %parallel_loop3A_54 = arith.addi %parallel_loop3A_53, %parallel_loop3A_50 : vector<16xi32>
      %parallel_loop3A_55 = tpu.vector_load_idx %arg9[%parallel_loop3A_54] : memref<800xf32, #tpu.memory_space<vmem>>[vector<16xi32>], vector<16xf32>,
      %parallel_loop3A_56 = arith.constant 400 : i32
      %parallel_loop3A_57 = vector.broadcast %parallel_loop3A_56 : i32 to vector<16xi32>
      %parallel_loop3A_58 = arith.addi %parallel_loop3A_54, %parallel_loop3A_57 : vector<16xi32>
      %parallel_loop3A_59 = tpu.vector_load_idx %arg9[%parallel_loop3A_58] : memref<800xf32, #tpu.memory_space<vmem>>[vector<16xi32>], vector<16xf32>,
      %parallel_loop3A_60 = arith.subf %parallel_loop3A_43, %parallel_loop3A_46 : vector<16xf32>
      %parallel_loop3A_61 = arith.subf %parallel_loop3A_44, %parallel_loop3A_47 : vector<16xf32>
      %parallel_loop3A_62 = arith.subf %parallel_loop3A_45, %parallel_loop3A_48 : vector<16xf32>
      %parallel_loop3A_63 = arith.mulf %parallel_loop3A_60, %parallel_loop3A_60 : vector<16xf32>
      %parallel_loop3A_64 = arith.mulf %parallel_loop3A_61, %parallel_loop3A_61 : vector<16xf32>
      %parallel_loop3A_65 = arith.addf %parallel_loop3A_63, %parallel_loop3A_64 : vector<16xf32>
      %parallel_loop3A_66 = arith.mulf %parallel_loop3A_62, %parallel_loop3A_62 : vector<16xf32>
      %parallel_loop3A_67 = arith.addf %parallel_loop3A_65, %parallel_loop3A_66 : vector<16xf32>
      %parallel_loop3A_68 = arith.constant 9.99999996E-13 : f32
      %parallel_loop3A_69 = vector.broadcast %parallel_loop3A_68 : f32 to vector<16xf32>
      %parallel_loop3A_70 = arith.addf %parallel_loop3A_67, %parallel_loop3A_69 : vector<16xf32>
      %parallel_loop3A_71 = tpu.bitcast %parallel_loop3A_70 : vector<16xf32> -> vector<16xi32>
      %parallel_loop3A_72 = arith.constant 1 : i32
      %parallel_loop3A_73 = vector.broadcast %parallel_loop3A_72 : i32 to vector<16xi32>
      %parallel_loop3A_74 = arith.shrui %parallel_loop3A_71, %parallel_loop3A_73 : vector<16xi32>
      %parallel_loop3A_75 = arith.constant 1597463007 : i32
      %parallel_loop3A_76 = vector.broadcast %parallel_loop3A_75 : i32 to vector<16xi32>
      %parallel_loop3A_77 = arith.subi %parallel_loop3A_76, %parallel_loop3A_74 : vector<16xi32>
      %parallel_loop3A_78 = tpu.bitcast %parallel_loop3A_77 : vector<16xi32> -> vector<16xf32>
      %parallel_loop3A_79 = arith.constant 5.000000e-01 : f32
      %parallel_loop3A_80 = vector.broadcast %parallel_loop3A_79 : f32 to vector<16xf32>
      %parallel_loop3A_81 = arith.mulf %parallel_loop3A_70, %parallel_loop3A_80 : vector<16xf32>
      %parallel_loop3A_82 = arith.mulf %parallel_loop3A_81, %parallel_loop3A_78 : vector<16xf32>
      %parallel_loop3A_83 = arith.mulf %parallel_loop3A_82, %parallel_loop3A_78 : vector<16xf32>
      %parallel_loop3A_84 = arith.constant 1.500000e+00 : f32
      %parallel_loop3A_85 = vector.broadcast %parallel_loop3A_84 : f32 to vector<16xf32>
      %parallel_loop3A_86 = arith.subf %parallel_loop3A_85, %parallel_loop3A_83 : vector<16xf32>
      %parallel_loop3A_87 = arith.mulf %parallel_loop3A_78, %parallel_loop3A_86 : vector<16xf32>
      %parallel_loop3A_88 = arith.mulf %parallel_loop3A_81, %parallel_loop3A_87 : vector<16xf32>
      %parallel_loop3A_89 = arith.mulf %parallel_loop3A_88, %parallel_loop3A_87 : vector<16xf32>
      %parallel_loop3A_90 = arith.constant 1.500000e+00 : f32
      %parallel_loop3A_91 = vector.broadcast %parallel_loop3A_90 : f32 to vector<16xf32>
      %parallel_loop3A_92 = arith.subf %parallel_loop3A_91, %parallel_loop3A_89 : vector<16xf32>
      %parallel_loop3A_93 = arith.mulf %parallel_loop3A_87, %parallel_loop3A_92 : vector<16xf32>
      %parallel_loop3A_94 = arith.mulf %parallel_loop3A_81, %parallel_loop3A_93 : vector<16xf32>
      %parallel_loop3A_95 = arith.mulf %parallel_loop3A_94, %parallel_loop3A_93 : vector<16xf32>
      %parallel_loop3A_96 = arith.constant 1.500000e+00 : f32
      %parallel_loop3A_97 = vector.broadcast %parallel_loop3A_96 : f32 to vector<16xf32>
      %parallel_loop3A_98 = arith.subf %parallel_loop3A_97, %parallel_loop3A_95 : vector<16xf32>
      %parallel_loop3A_99 = arith.mulf %parallel_loop3A_93, %parallel_loop3A_98 : vector<16xf32>
      %parallel_loop3A_100 = arith.mulf %parallel_loop3A_70, %parallel_loop3A_99 : vector<16xf32>
      %parallel_loop3A_101 = arith.subf %parallel_loop3A_100, %parallel_loop3A_55 : vector<16xf32>
      %parallel_loop3A_102 = arith.mulf %parallel_loop3A_59, %parallel_loop3A_101 : vector<16xf32>
      %parallel_loop3A_103 = arith.mulf %parallel_loop3A_102, %parallel_loop3A_101 : vector<16xf32>
      %parallel_loop3A_104 = arith.index_cast %parallel_loop3A_34 : i32 to index
      %parallel_loop3A_105 = tpu.vector_load %arg11[%parallel_loop3A_104] {strides = array<i32>} : memref<10112xf32, #tpu.memory_space<vmem>>, vector<16xf32>,
      tpu.vector_store %arg11[%parallel_loop3A_104], %parallel_loop3A_103 {strides = array<i32>} : memref<10112xf32, #tpu.memory_space<vmem>>, vector<16xf32>,
    } {sc.loop_unroll_factor = 8 : i64, sc.parallel_access}
    "tpu.region"() ({
      %run_scoped3A = tpu.sem_alloc : memref<!tpu.dma_semaphore, #tpu.memory_space<semaphore_mem>>
      %dma_start3A_34 = tpu.memref_slice %arg6[%multiple_of3A] : memref<320000xf32, #tpu.memory_space<hbm>> -> memref<10112xf32, #tpu.memory_space<hbm>>
      %dma_start3A_35 = tpu.memref_slice %arg6[%multiple_of3A] : memref<320000xf32, #tpu.memory_space<hbm>> -> memref<10112xf32, #tpu.memory_space<hbm>>
      tpu.enqueue_dma source(%arg11 : memref<10112xf32, #tpu.memory_space<vmem>>) target(%dma_start3A_35 : memref<10112xf32, #tpu.memory_space<hbm>>) target_semaphore(%run_scoped3A : memref<!tpu.dma_semaphore, #tpu.memory_space<semaphore_mem>>)
      %dma_wait3A_36 = tpu.memref_slice %arg6[%multiple_of3A] : memref<320000xf32, #tpu.memory_space<hbm>> -> memref<10112xf32, #tpu.memory_space<hbm>>
      %dma_wait3A_37 = tpu.memref_slice %arg6[%multiple_of3A] : memref<320000xf32, #tpu.memory_space<hbm>> -> memref<10112xf32, #tpu.memory_space<hbm>>
      tpu.wait_dma2 semaphore(%run_scoped3A : memref<!tpu.dma_semaphore, #tpu.memory_space<semaphore_mem>>) src(%arg11 : memref<10112xf32, #tpu.memory_space<vmem>>) dst(%dma_wait3A_37 : memref<10112xf32, #tpu.memory_space<hbm>>)
      tpu.yield
    }) : () -> ()
    return
  }
}

</mosaic_0001>

<sc_bundles>
// kernel: kernel.3.cloned.1.call-start
scs
__scs_entry_jumppad:
0x0: {  	(pc) =	sbr.rel $0x88, $3  }
0x1: {  	(tag) =	ssettag $0x0;
	lr =	simm.s32 $0x1  }
0x2: {  	[smem:$0x3F9C] =	sst lr;
	_ =	strace $0xD0000000  }
0x3: {  	_ = 	snop  }
0x4: {  	_ = 	snop  }
0x5: {  	_ = 	snop  }
0x6: {  	_ = 	snop  }
0x7: {  	_ = 	snop  }
__scs_overlays_trampoline_lowered:
0x8: {  	[smem:$0x3FAB] =	sst s0  }
0x9: {  	[smem:$0x3FAC] =	sst s1  }
0xa: {  	[smem:$0x3FAD] =	sst s2  }
0xb: {  	[smem:$0x3FAE] =	sst s3  }
0xc: {  	[smem:$0x3FAF] =	sst s4  }
0xd: {  	[smem:$0x3FB0] =	sst s5  }
0xe: {  	[smem:$0x3FB1] =	sst s6  }
0xf: {  	[smem:$0x3FB2] =	sst s7  }
0x10: {  	[smem:$0x3FB3] =	sst s8  }
0x11: {  	[smem:$0x3FB4] =	sst s9;
	s0 =	simm.s32 @!p0 $0x0  }
0x12: {  	s1 =	sld [smem:$0x3F9A];
	s0 =	simm.s32 @p0 $0x1  }
0x13: {  	[smem:$0x3FB5] =	sst s0;
	s0 =	simm.s32 @!p1 $0x0  }
0x14: {  	s2 =	sld [smem:$0x3F99];
	s0 =	simm.s32 @p1 $0x1  }
0x15: {  	[smem:$0x3FB6] =	sst s0;
	s0 =	simm.s32 @!p2 $0x0  }
0x16: {  	s3 =	sld [smem:$0x3FDB];
	s0 =	simm.s32 @p2 $0x1  }
0x17: {  	s4 =	simm.s32 $0x1BF5;
	[smem:$0x3FB8] =	sst s0  }
0x18: {  	s0 =	sld [smem:$0x3F9B];
	_ =	swait.ge [sflag:s4], $0x0  }
0x19: {  	s7 =	sld [smem:$0x3F9C]  }
0x1a: {  	s8 =	sadd.s32 $0xFFFFE003, lr  }
0x1b: {  	s9 =	sadd.s32 $0xFFFFFEF7, lr;
	s5 =	simm.s32 $0xFFFFFFFF;
	p2 =	slt.u32 s8, $0xFFFFF086  }
0x1c: {  	p1 =	slt.u32 s9, $0xF7A;
	s5 =	simm.s32 @!p2 $0x0  }
0x1d: {  	s5 =	simm.s32 @p1 $0x1;
	p0 =	seq.s32 s7, s2  }
0x1e: {  	s7 =	smul.u32 @!p0 $0xF7A, s2;
	p2 =	seq.s32 @!p0 s5, $0x0  }
0x1f: {  	s9 =	smul.u32 $0xF7A, s1;
	s8 =	simm.s32 @!p0 $0x1BF5;
	p2 =	por !p2, p0  }
0x20: {  	[sflag:s8] =	ssyncset.s32 @!p0 $0xFFFFF086;
	s6 =	sadd.s32 @!p0 s3, s7;
	s7 =	simm.s32 @!p0 $0x108  }
0x21: {  	s3 =	sadd.s32 s3, s9;
	s6 =	sadd.s32 @!p0 $0x88, s6;
	s7 =	simm.s32 @p2 $0x1082  }
0x22: {  	[simem:s7], [sflag:s8] =	dma.local @!p0 [hbm:s6], $0xF7A  }
0x23: {  	s9 =	sor.u32 $0xD0000000, s2;
	s6 =	simm.s32 $0x108;
	_ =	swait.ge @!p0 [sflag:s8], $0x0  }
0x24: {  	s3 =	sadd.s32 $0x88, s3;
	s6 =	simm.s32 @!p1 $0x1082;
	[sflag:s4] =	ssyncset.s32 $0xFFFFF086  }
0x25: {  	[simem:s6], [sflag:s4] =	dma.local [hbm:s3], $0xF7A  }
0x26: {  	[smem:$0x3F9C] =	sst s1;
	(tag) =	ssettag s2;
	_ =	strace s9  }
0x27: {  	s1 =	sld [smem:$0x3FAC]  }
0x28: {  	s2 =	sld [smem:$0x3FAD]  }
0x29: {  	s4 =	sld [smem:$0x3FAF]  }
0x2a: {  	p0 =	seq.s32 s5, $0x0;
	s5 =	sld [smem:$0x3FB0]  }
0x2b: {  	s6 =	sld [smem:$0x3FB1]  }
0x2c: {  	s7 =	sld [smem:$0x3FB2]  }
0x2d: {  	s3 =	simm.s32 $0x108;
	s8 =	sld [smem:$0x3FB3]  }
0x2e: {  	s3 =	simm.s32 @!p0 $0x1082;
	s9 =	sld [smem:$0x3FB4]  }
0x2f: {  	lr =	sadd.s32 s0, s3;
	s0 =	sld [smem:$0x3FAB]  }
0x30: {  	s3 =	sld [smem:$0x3FAE]  }
0x31: {  	[smem:$0x3FB7] =	sst s10  }
0x32: {  	s10 =	sld [smem:$0x3FB5];
	_ =	sdelay $0x3  }
0x33: {  	p0 =	seq.s32 s10, $0x1;
	s10 =	sld [smem:$0x3FB7];
	_ =	sdelay $0x3  }
0x34: {  	[smem:$0x3FB7] =	sst s10  }
0x35: {  	s10 =	sld [smem:$0x3FB6];
	_ =	sdelay $0x3  }
0x36: {  	p1 =	seq.s32 s10, $0x1;
	s10 =	sld [smem:$0x3FB7];
	_ =	sdelay $0x3  }
0x37: {  	[smem:$0x3FB7] =	sst s10  }
0x38: {  	s10 =	sld [smem:$0x3FB8]  }
0x39: {  	_ = 	snop;
	(pc) =	sbr.ind lr, $3  }
0x3a: {  	_ = 	snop  }
0x3b: {  	_ = 	snop  }
0x3c: {  	p2 =	seq.s32 s10, $0x1;
	s10 =	sld [smem:$0x3FB7]  }
0x3d: {  	_ =	shalt  }
0x3e: {  	_ =	shalt  }
0x3f: {  	_ =	shalt  }
0x40: {  	_ =	shalt  }
0x41: {  	_ =	shalt  }
0x42: {  	_ =	shalt  }
0x43: {  	_ =	shalt  }
0x44: {  	_ =	shalt  }
0x45: {  	_ =	shalt  }
0x46: {  	_ =	shalt  }
0x47: {  	_ =	shalt  }
0x48: {  	_ =	shalt  }
0x49: {  	_ =	shalt  }
0x4a: {  	_ =	shalt  }
0x4b: {  	_ =	shalt  }
0x4c: {  	_ =	shalt  }
0x4d: {  	_ =	shalt  }
0x4e: {  	_ =	shalt  }
0x4f: {  	_ =	shalt  }
0x50: {  	_ =	shalt  }
0x51: {  	_ =	shalt  }
0x52: {  	_ =	shalt  }
0x53: {  	_ =	shalt  }
0x54: {  	_ =	shalt  }
0x55: {  	_ =	shalt  }
0x56: {  	_ =	shalt  }
0x57: {  	_ =	shalt  }
0x58: {  	_ =	shalt  }
0x59: {  	_ =	shalt  }
0x5a: {  	_ =	shalt  }
0x5b: {  	_ =	shalt  }
0x5c: {  	_ =	shalt  }
0x5d: {  	_ =	shalt  }
0x5e: {  	_ =	shalt  }
0x5f: {  	_ =	shalt  }
0x60: {  	_ =	shalt  }
0x61: {  	_ =	shalt  }
0x62: {  	_ =	shalt  }
0x63: {  	_ =	shalt  }
0x64: {  	_ =	shalt  }
0x65: {  	_ =	shalt  }
0x66: {  	_ =	shalt  }
0x67: {  	_ =	shalt  }
0x68: {  	_ =	shalt  }
0x69: {  	_ =	shalt  }
0x6a: {  	_ =	shalt  }
0x6b: {  	_ =	shalt  }
0x6c: {  	_ =	shalt  }
0x6d: {  	_ =	shalt  }
0x6e: {  	_ =	shalt  }
0x6f: {  	_ =	shalt  }
0x70: {  	_ =	shalt  }
0x71: {  	_ =	shalt  }
0x72: {  	_ =	shalt  }
0x73: {  	_ =	shalt  }
0x74: {  	_ =	shalt  }
0x75: {  	_ =	shalt  }
0x76: {  	_ =	shalt  }
0x77: {  	_ =	shalt  }
0x78: {  	_ =	shalt  }
0x79: {  	_ =	shalt  }
0x7a: {  	_ =	shalt  }
0x7b: {  	_ =	shalt  }
0x7c: {  	_ =	shalt  }
0x7d: {  	_ =	shalt  }
0x7e: {  	_ =	shalt  }
0x7f: {  	_ =	shalt  }
0x80: {  	_ =	shalt  }
0x81: {  	_ =	shalt  }
0x82: {  	_ =	shalt  }
0x83: {  	_ =	shalt  }
0x84: {  	_ =	shalt  }
0x85: {  	_ =	shalt  }
0x86: {  	_ =	shalt  }
0x87: {  	_ =	shalt  }
.Lfunc_end0:
.L_simem_size_0:
called_computation_lowered:
.L_overlay_start_0:
0x88: {  	s2 =	sld [smem:$0x3FD9]  }
0x89: {  	s3 =	sld [smem:$0x3FFE];
	_ =	sdelay $0x1  }
0x8a: {  	s1 =	srdreg.scid  }
0x8b: {  	s0 =	sand.u32 $0x1, s1  }
0x8c: {  	s17 =	sshll.u32 s0, $0xA;
	s2 =	sadd.s32 s3, s2  }
0x8d: {  	s2 =	sadd.s32 s2, s17  }
0x8e: {  	[smem:$0x3FC3] =	sst s2  }
0x8f: {  	_ = 	snop  }
0x90: {  	s2 =	sld [smem:$0x3FC9]  }
0x91: {  	s18 =	sld [smem:$0x3FC8]  }
0x92: {  	s4 =	sld [smem:$0x3FC7]  }
0x93: {  	s5 =	sld [smem:$0x3FD0];
	(tm) =	ssettm $0x1  }
0x94: {  	s6 =	sld [smem:$0x3FFB];
	_ =	sdelay $0x3  }
0x95: {  	_ =	strace s6  }
0x96: {  	s6 =	sld [smem:$0x3FFC];
	_ =	sdelay $0x3  }
0x97: {  	_ =	strace s6  }
0x98: {  	s6 =	sld [smem:$0x3FFD];
	_ =	sdelay $0x3  }
0x99: {  	_ =	strace s6  }
0x9a: {  	_ =	strace $0x8FFFFFFF  }
0x9b: {  	s19 =	sld [smem:$0x3FDB];
	_ =	sdelay $0x1  }
0x9c: {  	s7 =	simm.s32 $_scs_section_size  }
0x9d: {  	s8 =	simm.s32 $_size__tile_overlayer_lowered;
	s9 =	simm.s32 $_tile_overlayer_lowered  }
0x9e: {  	s22 =	simm.s32 $0x1BFF;
	s21 =	sshll.u32 s9, $0x1;
	s6 =	sadd.s32 s7, s19  }
0x9f: {  	s10 =	simm.s32 $0x0;
	s20 =	sshll.u32 s8, $0x1;
	s8 =	sadd.s32 s21, s6  }
0xa0: {  	[timem:s10], [sflag:s22] =	dma.local [hbm:s8], s20  }
0xa1: {  	_ =	swait.ge [sflag:s22], s20  }
0xa2: {  	s7 =	ssub.s32 $0x0, s20;
	[sflag:s22] =	ssyncset.done $0x0  }
0xa3: {  	[sflag:s22] =	ssyncadd.s32 s7;
	_ =	sdelay $0x1  }
0xa4: {  	s23 =	simm.s32 $0x1B8B  }
0xa5: {  	_ =	swait.ge [sflag:s23], $0x1  }
0xa6: {  	[sflag:s23] =	ssyncset.done $0x0  }
0xa7: {  	s25 =	simm.s32 $0x1B8E;
	s24 =	sld [smem:$0x3FFE];
	[sflag:s23] =	ssyncadd.s32 $0xFFFFFFFF  }
0xa8: {  	s26 =	simm.s32 $execute0_lowered;
	[smem:$0x3FD2] =	sst s25  }
0xa9: {  	s8 =	sshll.u32 s26, $0x1;
	_ =	strace $0x80000046;
	[dreg:$0x1] =	wrdreg $0xFFFFFFFF  }
0xaa: {  	s28 =	simm.s32 $_size_execute0_lowered;
	s6 =	sadd.s32 s6, s8;
	[dreg:$0x0] =	wrdreg $0x0  }
0xab: {  	s8 =	sshll.u32 s28, $0x1;
	[dreg:$0x2] =	wrdreg s6  }
0xac: {  	[dreg:$0x3] =	wrdreg s8  }
0xad: {  	[dreg:$0x4] =	wrdreg $0xC0  }
0xae: {  	_ =	task [dreg:s10], $0x5FFFF  }
0xaf: {  	[dreg:$0x1] =	wrdreg $0xFFFFFFFF  }
0xb0: {  	[dreg:$0x0] =	wrdreg $0x60  }
0xb1: {  	[dreg:$0x2] =	wrdreg s2  }
0xb2: {  	[dreg:$0x3] =	wrdreg s4  }
0xb3: {  	[dreg:$0x4] =	wrdreg s24  }
0xb4: {  	[dreg:$0x5] =	wrdreg s18  }
0xb5: {  	[dreg:$0x6] =	wrdreg s5  }
0xb6: {  	[dreg:$0x7] =	wrdreg $0x9  }
0xb7: {  	_ =	task.clear_ibuf [dreg:s10], $0x8FFFF;
	_ =	strace $0x90000046  }
0xb8: {  	s29 =	simm.s32 $0x9;
	_ =	strace $0x80000048  }
0xb9: {  	_ =	swait.ge [sflag:s29], $0x1  }
0xba: {  	[sflag:s29] =	ssyncadd.s32 $0xFFFFFFFF  }
0xbb: {  	_ =	strace $0x90000048  }
0xbc: {  	_ =	sfence  }
0xbd: {  	s30 =	sld [smem:$0x0];
	_ =	sdelay $0x2  }
0xbe: {  	s31 =	sshll.u32 s1, $0xD;
	s1 =	sshrl.u32 s1, $0x2  }
0xbf: {  	s3 =	sand.u32 $0x4000, s31;
	s1 =	sadd.s32 s1, s30  }
0xc0: {  	s0 =	sor.u32 s3, s0;
	s1 =	sshll.u32 s1, $0x11  }
0xc1: {  	s0 =	sor.u32 s1, s0  }
0xc2: {  	s0 =	sadd.s32 $0x8F2B, s0  }
0xc3: {  	[sflag:s0] =	ssyncadd.remote.s32 $0x1  }
0xc4: {  	_ =	sfence.sel $0xFFFF  }
0xc5: {  	[dreg:$0x0] =	wrdreg $0xFFFFFFFF;
	(pc) =	sbr.abs _section_cstart, $3  }
0xc6: {  	[dreg:$0x1] =	wrdreg $0xFFFFFFFF  }
0xc7: {  	_ =	task.clear_ibuf [dreg:s10], $0x2FFFF;
	_ =	strace $0x9FFFFFFF  }
0xc8: {  	(tm) =	ssettm $0x7FFFFFFF  }
0xc9: {  	_ =	shalt  }
tec
execute0_lowered:
.L_overlay_start_1:
0x0: {  	(tag) =	ssettag $0x1  }
0x1: {  	s0 =	rddreg [dreg:$0x0]  }
0x2: {  	s2 =	rddreg [dreg:$0x1]  }
0x3: {  	s5 =	rddreg [dreg:$0x2]  }
0x4: {  	s6 =	rddreg [dreg:$0x3];
	s3 =	srdreg.scid  }
0x5: {  	s1 =	stileid.u32;
	s7 =	rddreg [dreg:$0x4];
	s4 =	simm.s32 $0x0  }
0x6: {  	s12 =	simm.s32 $0x1;
	s13 =	simm.s32 $0x11800;
	s14 =	simm.s32 $0x2  }
0x7: {  	s15 =	simm.s32 $0x0;
	s8 =	sand.u32 $0x1, s3;
	s9 =	sshll.u32 s1, $0x1  }
0x8: {  	s3 =	rddreg [dreg:$0x5];
	s9 =	sor.u32 s8, s9;
	s8 =	ssub.s32 $0x2, s8  }
0x9: {  	[smem:$0x7FF] =	sst s4;
	s9 =	smul.u32 $0x9C4, s9;
	s10 =	sshrl.u32 s8, $0x1  }
0xa: {  	s5 =	sadd.s32 $0x400, s5;
	_ =	strace $0x80000047;
	s8 =	ssub.s32 s8, s10  }
0xb: {  	s10 =	simm.s32 $0xC580;
	s11 =	sand.u32 $0x1FFE0, s9;
	s9 =	sshrl.u32 s9, $0x1  }
0xc: {  	s8 =	smax.u32 s8, $0x1;
	s6 =	sadd.s32 s6, s11;
	s9 =	sand.u32 $0xFFF0, s9  }
0xd: {  	s11 =	simm.s32 $0xC900;
	s7 =	sadd.s32 s7, s9;
	s9 =	simm.s32 $0x9E00  }
.LBB2_1:
0xe: {  	[tilespmem:s4], [sflag:$0x1] =	stream.linear.gather [hbm4b:s0+s4], $0x9E00, $0x38;
	[tilespmem:$0x13F80] =	vst v63  }
0xf: {  	_ = 	snop  }
0x10: {  	[tilespmem:s9], [sflag:$0x1] =	stream.linear.gather [hbm4b:s2+s4], $0x2780, $0x38;
	[tilespmem:$0x13F80] =	vst v63  }
0x11: {  	_ = 	snop  }
0x12: {  	[tilespmem:s10], [sflag:$0x1] =	stream.linear.gather [hbm4b:s5+s4], $0x380, $0x38;
	[tilespmem:$0x13F80] =	vst v63  }
0x13: {  	_ = 	snop  }
0x14: {  	[tilespmem:s11], [sflag:$0x1] =	stream.linear.gather [hbm4b:s6+s4], $0x4F00, $0x38;
	[tilespmem:$0x13F80] =	vst v63  }
0x15: {  	_ =	swait.ge [sflag:s12], $0x9E00  }
0x16: {  	[sflag:s12] =	ssyncset.done $0x0  }
0x17: {  	[sflag:s12] =	ssyncadd.s32 $0xFFFF6200  }
0x18: {  	_ =	swait.ge [sflag:s12], $0x2780  }
0x19: {  	[sflag:s12] =	ssyncset.done $0x0  }
0x1a: {  	[sflag:s12] =	ssyncadd.s32 $0xFFFFD880  }
0x1b: {  	_ =	swait.ge [sflag:s12], $0x380  }
0x1c: {  	[sflag:s12] =	ssyncset.done $0x0  }
0x1d: {  	[sflag:s12] =	ssyncadd.s32 $0xFFFFFC80  }
0x1e: {  	_ =	swait.ge [sflag:s12], $0x4F00  }
0x1f: {  	[sflag:s12] =	ssyncset.done $0x0  }
0x20: {  	s16 =	simm.s32 $0xC980;
	[sflag:s12] =	ssyncadd.s32 $0xFFFFB100  }
0x21: {  	v13 =	vld [tilespmem:s16+$0xFFFFFFF0]  }
0x22: {  	v14 =	vld [tilespmem:s16+$0x70]  }
0x23: {  	v4 =	vld [tilespmem:s16+$0x0]  }
0x24: {  	v8 =	vld [tilespmem:s16+$0xFFFFFF90]  }
0x25: {  	v1 =	vld [tilespmem:s16+$0x10]  }
0x26: {  	v12 =	vld [tilespmem:s16+$0xFFFFFFA0]  }
0x27: {  	v0 =	vld [tilespmem:s16+$0x20]  }
0x28: {  	v9 =	vld [tilespmem:s16+$0xFFFFFFD0]  }
0x29: {  	v15 =	vld [tilespmem:s16+$0xFFFFFFB0];
	v2 =	vshll.u32 v13, $0x2  }
0x2a: {  	v7 =	vld [tilespmem:s16+$0xFFFFFFC0];
	v3 =	vand.u32 $0x7F, v13;
	v5 =	vshll.u32 v14, $0x2;
	v2 =	vand.u32 $0xFFFFFE00, v2  }
0x2b: {  	v52 =	vand.u32 $0x7F, v14;
	v54 =	vshll.u32 v1, $0x2;
	v6 =	vor.u32 v3, v2;
	v2 =	vld [tilespmem:s16+$0x30]  }
0x2c: {  	v28 =	vand.u32 $0x7F, v1;
	v5 =	vand.u32 $0xFFFFFE00, v5;
	v22 =	vand.u32 $0xFFFFFE00, v54;
	v3 =	vld [tilespmem:s16+$0x40]  }
0x2d: {  	v5 =	vor.u32 v52, v5;
	v22 =	vor.u32 v28, v22;
	v28 =	vld [tilespmem:s16+$0xFFFFFF80]  }
0x2e: {  	v13 =	vld.idx.msk [tilespmem:v13+s9+$0x0], $0xffff  }
0x2f: {  	v14 =	vld.idx.msk [tilespmem:v14+s9+$0x0], $0xffff  }
0x30: {  	v34 =	vshll.u32 v9, $0x2;
	v57 =	vand.u32 $0x7F, v9;
	v10 =	vor.u32 $0x80, v6;
	v9 =	vld.idx.msk [tilespmem:v9+s9+$0x0], $0xffff  }
0x31: {  	v25 =	vshll.u32 v15, $0x2;
	v11 =	vor.u32 $0x80, v5;
	v17 =	vld.idx.msk [tilespmem:v6+s4+$0x0], $0xffff  }
0x32: {  	v31 =	vand.u32 $0x7F, v15;
	v25 =	vand.u32 $0xFFFFFE00, v25;
	v16 =	vor.u32 $0x100, v6;
	v18 =	vld.idx.msk [tilespmem:v5+s4+$0x0], $0xffff  }
0x33: {  	v25 =	vor.u32 v31, v25;
	v42 =	vor.u32 $0x80, v22;
	v6 =	vor.u32 $0x100, v5;
	v5 =	vld [tilespmem:s16+$0x50]  }
0x34: {  	v51 =	vor.u32 $0x80, v25;
	v35 =	vld.idx.msk [tilespmem:v22+s4+$0x0], $0xffff  }
0x35: {  	v19 =	vld.idx.msk [tilespmem:v10+s4+$0x0], $0xffff  }
0x36: {  	v20 =	vld.idx.msk [tilespmem:v11+s4+$0x0], $0xffff  }
0x37: {  	v53 =	vshll.u32 v4, $0x2;
	v16 =	vld.idx.msk [tilespmem:v16+s4+$0x0], $0xffff  }
0x38: {  	v21 =	vshll.u32 v12, $0x2;
	v24 =	vand.u32 $0x7F, v4;
	v26 =	vand.u32 $0x7F, v8;
	v42 =	vld.idx.msk [tilespmem:v42+s4+$0x0], $0xffff  }
0x39: {  	v21 =	vand.u32 $0xFFFFFE00, v21;
	v33 =	vshll.u32 v3, $0x2;
	v11 =	vand.u32 $0xFFFFFE00, v53;
	v51 =	vld.idx.msk [tilespmem:v51+s4+$0x0], $0xffff  }
0x3a: {  	v56 =	vshll.u32 v28, $0x2;
	v10 =	vshll.u32 v8, $0x2;
	v24 =	vor.u32 v24, v11;
	v11 =	vld [tilespmem:s16+$0xFFFFFFE0]  }
0x3b: {  	v37 =	vand.u32 $0x7F, v3;
	v38 =	vand.u32 $0x7F, v28;
	v10 =	vand.u32 $0xFFFFFE00, v10;
	v28 =	vld.idx.msk [tilespmem:v28+s9+$0x0], $0xffff  }
0x3c: {  	v22 =	vor.u32 $0x100, v22;
	v26 =	vor.u32 v26, v10;
	v10 =	vand.u32 $0x7F, v12;
	v3 =	vld.idx.msk [tilespmem:v3+s9+$0x0], $0xffff  }
0x3d: {  	v21 =	vor.u32 v10, v21;
	v10 =	vld.idx.msk [tilespmem:v8+s9+$0x0], $0xffff  }
0x3e: {  	v8 =	vld.idx.msk [tilespmem:v12+s9+$0x0], $0xffff  }
0x3f: {  	v32 =	vand.u32 $0x7F, v7;
	v12 =	vshll.u32 v7, $0x2;
	v7 =	vld.idx.msk [tilespmem:v7+s9+$0x0], $0xffff  }
0x40: {  	v23 =	vld.idx.msk [tilespmem:v6+s4+$0x0], $0xffff  }
0x41: {  	v6 =	vshll.u32 v0, $0x2;
	v22 =	vld.idx.msk [tilespmem:v22+s4+$0x0], $0xffff  }
0x42: {  	v59 =	vor.u32 $0x80, v24;
	v27 =	vand.u32 $0xFFFFFE00, v6;
	v6 =	vld [tilespmem:s16+$0x60]  }
0x43: {  	v29 =	vshll.u32 v2, $0x2;
	v17 =	vsub.f32 v17, v18;
	v18 =	vsub.f32 v19, v20;
	v20 =	vld.idx.msk [tilespmem:v25+s4+$0x0], $0xffff  }
0x44: {  	v30 =	vand.u32 $0x7F, v0;
	v55 =	vand.u32 $0xFFFFFE00, v34;
	v29 =	vand.u32 $0xFFFFFE00, v29;
	v31 =	vld.idx.msk [tilespmem:v24+s4+$0x0], $0xffff  }
0x45: {  	v47 =	vor.u32 $0x80, v21;
	v27 =	vor.u32 v30, v27;
	v30 =	vand.u32 $0x7F, v2;
	v2 =	vld.idx.msk [tilespmem:v2+s9+$0x0], $0xffff  }
0x46: {  	v34 =	vand.u32 $0xFFFFFE00, v56;
	v12 =	vand.u32 $0xFFFFFE00, v12;
	v29 =	vor.u32 v30, v29;
	v30 =	vld.idx.msk [tilespmem:v26+s4+$0x0], $0xffff  }
0x47: {  	v32 =	vor.u32 v32, v12;
	v19 =	vor.u32 v38, v34;
	v38 =	vld.idx.msk [tilespmem:v59+s4+$0x0], $0xffff  }
0x48: {  	v41 =	vand.u32 $0x7F, v5;
	v44 =	vshll.u32 v5, $0x2;
	v5 =	vld.idx.msk [tilespmem:v5+s9+$0x0], $0xffff  }
0x49: {  	v25 =	vor.u32 $0x100, v25;
	v36 =	vld.idx.msk [tilespmem:v21+s4+$0x0], $0xffff  }
0x4a: {  	v47 =	vld.idx.msk [tilespmem:v47+s4+$0x0], $0xffff  }
0x4b: {  	v13 =	vmul.u32 $0x14, v13;
	v45 =	vshll.u32 v11, $0x2;
	v54 =	vand.u32 $0x7F, v11;
	v11 =	vld.idx.msk [tilespmem:v11+s9+$0x0], $0xffff  }
0x4c: {  	v9 =	vmul.u32 $0x14, v9;
	v12 =	vand.u32 $0xFFFFFE00, v33;
	v58 =	vor.u32 $0x80, v19;
	v33 =	vld.idx.msk [tilespmem:v32+s4+$0x0], $0xffff  }
0x4d: {  	v44 =	vand.u32 $0xFFFFFE00, v44;
	v24 =	vor.u32 $0x100, v24;
	v16 =	vsub.f32 v16, v23;
	v40 =	vld.idx.msk [tilespmem:v19+s4+$0x0], $0xffff  }
0x4e: {  	v23 =	vor.u32 v37, v12;
	v12 =	vmul.f32 v17, v17;
	v17 =	vmul.f32 v18, v18;
	v25 =	vld.idx.msk [tilespmem:v25+s4+$0x0], $0xffff  }
0x4f: {  	v13 =	vadd.s32 v14, v13;
	v41 =	vor.u32 v41, v44;
	v50 =	vor.u32 $0x80, v27;
	v39 =	vld.idx.msk [tilespmem:v27+s4+$0x0], $0xffff  }
0x50: {  	v45 =	vand.u32 $0xFFFFFE00, v45;
	v63 =	vor.u32 $0x80, v41;
	v17 =	vadd.f32 v17, v12;
	v12 =	vld.idx.msk [tilespmem:v15+s9+$0x0], $0xffff  }
0x51: {  	v56 =	vor.u32 $0x80, v32;
	v53 =	vor.u32 $0x80, v29;
	v45 =	vor.u32 v54, v45;
	v34 =	vld.idx.msk [tilespmem:v58+s4+$0x0], $0xffff  }
0x52: {  	v21 =	vor.u32 $0x100, v21;
	v7 =	vmul.u32 $0x14, v7;
	v16 =	vmul.f32 v16, v16;
	v24 =	vld.idx.msk [tilespmem:v24+s4+$0x0], $0xffff  }
0x53: {  	v18 =	vor.u32 v57, v55;
	v57 =	vor.u32 $0x80, v45;
	v46 =	vshll.u32 v6, $0x2;
	v37 =	vld.idx.msk [tilespmem:v29+s4+$0x0], $0xffff  }
0x54: {  	v55 =	vand.u32 $0x7F, v6;
	v46 =	vand.u32 $0xFFFFFE00, v46;
	v50 =	vld.idx.msk [tilespmem:v50+s4+$0x0], $0xffff;
	v16 =	vadd.f32 v16, v17  }
0x55: {  	v61 =	vor.u32 $0x80, v23;
	v62 =	vor.u32 $0x80, v18;
	v46 =	vor.u32 v55, v46;
	v55 =	vld.idx.msk [tilespmem:v63+s4+$0x0], $0xffff  }
0x56: {  	v19 =	vor.u32 $0x100, v19;
	v32 =	vor.u32 $0x100, v32;
	v53 =	vld.idx.msk [tilespmem:v53+s4+$0x0], $0xffff;
	v16 =	vadd.f32 $9.999999960e-13, v16  }
0x57: {  	v7 =	vadd.s32 v3, v7;
	v15 =	vor.u32 $0x80, v26;
	v26 =	vor.u32 $0x100, v26;
	v21 =	vld.idx.msk [tilespmem:v21+s4+$0x0], $0xffff  }
0x58: {  	v27 =	vor.u32 $0x100, v27;
	v17 =	vld.idx.msk [tilespmem:v23+s4+$0x0], $0xffff;
	v48 =	vshrl.u32 v16, $0x1;
	v49 =	vmul.f32 $5.000000000e-01, v16  }
0x59: {  	v29 =	vor.u32 $0x100, v29;
	v30 =	vsub.f32 v30, v35;
	v43 =	vld.idx.msk [tilespmem:v18+s4+$0x0], $0xffff;
	v48 =	vsub.s32 $0x5F3759DF, v48  }
0x5a: {  	v9 =	vadd.s32 v5, v9;
	v58 =	vor.u32 $0x80, v46;
	v54 =	vld.idx.msk [tilespmem:v62+s4+$0x0], $0xffff;
	v52 =	vmul.f32 v48, v49  }
0x5b: {  	v23 =	vor.u32 $0x100, v23;
	v18 =	vor.u32 $0x100, v18;
	v30 =	vmul.f32 v30, v30;
	v62 =	vld.idx.msk [tilespmem:v45+s4+$0x0], $0xffff  }
0x5c: {  	v11 =	vmul.u32 $0x14, v11;
	v31 =	vsub.f32 v40, v31;
	v19 =	vld.idx.msk [tilespmem:v19+s4+$0x0], $0xffff;
	v60 =	vmul.f32 v48, v52  }
0x5d: {  	v15 =	vld.idx.msk [tilespmem:v15+s4+$0x0], $0xffff;
	v34 =	vsub.f32 v34, v38;
	v36 =	vsub.f32 v36, v39;
	v12 =	vmul.u32 $0x14, v12  }
0x5e: {  	v32 =	vld.idx.msk [tilespmem:v32+s4+$0x0], $0xffff;
	v31 =	vmul.f32 v31, v31;
	v20 =	vsub.f32 v20, v37;
	v44 =	vsub.f32 $1.500000000e+00, v60  }
0x5f: {  	v40 =	vld.idx.msk [tilespmem:v58+s4+$0x0], $0xffff;
	v58 =	vor.u32 $0x100, v46;
	v34 =	vmul.f32 v34, v34;
	v63 =	vmul.f32 v36, v36  }
0x60: {  	v26 =	vld.idx.msk [tilespmem:v26+s4+$0x0], $0xffff;
	v12 =	vadd.s32 v2, v12;
	v17 =	vsub.f32 v33, v17;
	v44 =	vmul.f32 v48, v44  }
0x61: {  	v27 =	vld.idx.msk [tilespmem:v27+s4+$0x0], $0xffff;
	v20 =	vmul.f32 v20, v20;
	v31 =	vadd.f32 v34, v31;
	v19 =	vsub.f32 v19, v24  }
0x62: {  	v52 =	vld.idx.msk [tilespmem:v61+s4+$0x0], $0xffff;
	v61 =	vor.u32 $0x100, v45;
	v15 =	vsub.f32 v15, v42;
	v14 =	vmul.f32 v44, v49  }
0x63: {  	v45 =	vld.idx.msk [tilespmem:v46+s4+$0x0], $0xffff;
	v46 =	vsub.f32 v47, v50;
	v47 =	vsub.f32 v51, v53;
	v17 =	vmul.f32 v17, v17  }
0x64: {  	v24 =	vld.idx.msk [tilespmem:v29+s4+$0x0], $0xffff;
	v50 =	vmul.u32 $0x14, v10;
	v51 =	vsub.f32 v54, v55;
	v59 =	vmul.f32 v14, v44  }
0x65: {  	v23 =	vld.idx.msk [tilespmem:v23+s4+$0x0], $0xffff;
	v22 =	vsub.f32 v26, v22;
	v19 =	vmul.f32 v19, v19;
	v60 =	vor.u32 $0x100, v41  }
0x66: {  	v15 =	vmul.f32 v15, v15;
	v14 =	vmul.u32 $0x14, v28;
	v28 =	vsub.f32 $1.500000000e+00, v59  }
0x67: {  	v35 =	vld.idx.msk [tilespmem:v41+s4+$0x0], $0xffff;
	v21 =	vsub.f32 v21, v27;
	v41 =	vmul.f32 v47, v47;
	v22 =	vmul.f32 v22, v22  }
0x68: {  	v4 =	vld.idx.msk [tilespmem:v4+s9+$0x0], $0xffff;
	v15 =	vadd.f32 v15, v30;
	v30 =	vmul.f32 v46, v46;
	v28 =	vmul.f32 v28, v44  }
0x69: {  	v18 =	vld.idx.msk [tilespmem:v18+s4+$0x0], $0xffff;
	v21 =	vmul.f32 v21, v21;
	v19 =	vadd.f32 v19, v31;
	v24 =	vsub.f32 v25, v24  }
0x6a: {  	v23 =	vsub.f32 v32, v23;
	v48 =	vld.idx.msk [tilespmem:v56+s4+$0x0], $0xffff;
	v10 =	vadd.f32 v30, v63;
	v44 =	vmul.f32 v28, v49  }
0x6b: {  	v20 =	vadd.f32 v41, v20;
	v15 =	vadd.f32 v22, v15;
	v22 =	vmul.f32 v24, v24;
	v27 =	vld.idx.msk [tilespmem:v60+s4+$0x0], $0xffff  }
0x6c: {  	v56 =	vadd.s32 $0x190, v13;
	v21 =	vadd.f32 v21, v10;
	v36 =	vmul.f32 v44, v28  }
0x6d: {  	v57 =	vld.idx.msk [tilespmem:v57+s4+$0x0], $0xffff;
	v29 =	vmul.f32 v51, v51;
	v10 =	vadd.f32 $9.999999960e-13, v15;
	v20 =	vadd.f32 v22, v20  }
0x6e: {  	v22 =	vmul.f32 v23, v23;
	v15 =	vadd.f32 $9.999999960e-13, v21;
	v36 =	vsub.f32 $1.500000000e+00, v36  }
0x6f: {  	v13 =	vld.idx.msk [tilespmem:v13+s10+$0x0], $0xffff;
	v21 =	vshrl.u32 v10, $0x1;
	v4 =	vadd.s32 v4, v14;
	v49 =	vsub.f32 v48, v52  }
0x70: {  	v18 =	vsub.f32 v18, v27;
	v23 =	vshrl.u32 v15, $0x1;
	v28 =	vmul.f32 v36, v28  }
0x71: {  	v59 =	vld.idx.msk [tilespmem:v56+s10+$0x0], $0xffff;
	v27 =	vmul.f32 $5.000000000e-01, v15;
	v52 =	vmul.u32 $0x14, v8;
	v30 =	vmul.f32 v49, v49  }
0x72: {  	v8 =	vsub.f32 v57, v40;
	v16 =	vmul.f32 v28, v16;
	v28 =	vsub.f32 v43, v35  }
0x73: {  	v23 =	vsub.s32 $0x5F3759DF, v23;
	v17 =	vadd.f32 v30, v17;
	v30 =	vsub.f32 v62, v45  }
0x74: {  	v56 =	vmul.f32 v23, v27;
	v13 =	vsub.f32 v16, v13;
	v16 =	vmul.f32 v28, v28  }
0x75: {  	v0 =	vld.idx.msk [tilespmem:v0+s9+$0x0], $0xffff;
	v21 =	vsub.s32 $0x5F3759DF, v21;
	v8 =	vmul.f32 v8, v8;
	v28 =	vmul.f32 v30, v30  }
0x76: {  	v14 =	vmul.f32 v23, v56;
	v26 =	vmul.f32 v13, v59;
	v16 =	vadd.f32 v29, v16;
	v29 =	vld.idx.msk [tilespmem:v61+s4+$0x0], $0xffff  }
0x77: {  	v18 =	vmul.f32 v18, v18;
	v28 =	vadd.f32 v8, v28;
	v8 =	vadd.f32 $9.999999960e-13, v19;
	v19 =	vld.idx.msk [tilespmem:v58+s4+$0x0], $0xffff  }
0x78: {  	v14 =	vsub.f32 $1.500000000e+00, v14;
	v22 =	vadd.f32 v22, v17;
	v13 =	vmul.f32 v26, v13  }
0x79: {  	v24 =	vshrl.u32 v8, $0x1;
	v25 =	vmul.f32 $5.000000000e-01, v8;
	v26 =	vmul.f32 $5.000000000e-01, v10  }
0x7a: {  	v16 =	vadd.f32 v18, v16;
	v18 =	vadd.f32 $9.999999960e-13, v22;
	v22 =	vsub.s32 $0x5F3759DF, v24  }
0x7b: {  	v48 =	vadd.s32 v0, v52;
	v17 =	vadd.f32 $9.999999960e-13, v20;
	v53 =	vmul.f32 v22, v25  }
0x7c: {  	v14 =	vmul.f32 v23, v14;
	v55 =	vmul.f32 v21, v26;
	v19 =	vsub.f32 v29, v19  }
0x7d: {  	v24 =	vshrl.u32 v17, $0x1;
	v29 =	vmul.f32 $5.000000000e-01, v17;
	v32 =	vmul.f32 v22, v53  }
0x7e: {  	v24 =	vsub.s32 $0x5F3759DF, v24;
	v36 =	vmul.f32 v21, v55;
	v20 =	vmul.f32 v19, v19  }
0x7f: {  	v19 =	vadd.f32 $9.999999960e-13, v16;
	v16 =	vshrl.u32 v18, $0x1;
	v57 =	vmul.f32 v24, v29  }
0x80: {  	v16 =	vsub.s32 $0x5F3759DF, v16;
	v32 =	vsub.f32 $1.500000000e+00, v32;
	v36 =	vsub.f32 $1.500000000e+00, v36  }
0x81: {  	v20 =	vadd.f32 v20, v28;
	v28 =	vmul.f32 $5.000000000e-01, v18;
	v31 =	vmul.f32 $5.000000000e-01, v19  }
0x82: {  	v30 =	vshrl.u32 v19, $0x1;
	v61 =	vmul.f32 v24, v57;
	v22 =	vmul.f32 v22, v32  }
0x83: {  	v30 =	vsub.s32 $0x5F3759DF, v30;
	v20 =	vadd.f32 $9.999999960e-13, v20;
	v58 =	vmul.f32 v16, v28  }
0x84: {  	v6 =	vld.idx.msk [tilespmem:v6+s9+$0x0], $0xffff;
	v59 =	vmul.f32 v30, v31;
	v45 =	vsub.f32 $1.500000000e+00, v61;
	v49 =	vmul.f32 v22, v25  }
0x85: {  	v1 =	vld.idx.msk [tilespmem:v1+s9+$0x0], $0xffff;
	v54 =	vshrl.u32 v20, $0x1;
	v35 =	vmul.f32 $5.000000000e-01, v20;
	v62 =	vmul.f32 v16, v58  }
0x86: {  	v63 =	vmul.f32 v30, v59;
	v23 =	vmul.f32 v24, v45;
	v33 =	vsub.s32 $0x5F3759DF, v54  }
0x87: {  	v36 =	vmul.f32 v21, v36;
	v60 =	vmul.f32 v33, v35;
	v46 =	vsub.f32 $1.500000000e+00, v62  }
0x88: {  	v0 =	vmul.f32 v49, v22;
	v21 =	vsub.f32 $1.500000000e+00, v63;
	v51 =	vmul.f32 v23, v29  }
0x89: {  	v11 =	vadd.s32 v6, v11;
	v44 =	vmul.f32 v33, v60;
	v24 =	vmul.f32 v16, v46  }
0x8a: {  	v1 =	vadd.s32 v1, v50;
	v30 =	vmul.f32 v30, v21;
	v16 =	vmul.f32 v36, v26  }
0x8b: {  	v61 =	vadd.s32 $0x190, v11;
	v21 =	vmul.f32 v14, v27;
	v3 =	vmul.f32 v51, v23  }
0x8c: {  	v47 =	vsub.f32 $1.500000000e+00, v44;
	v52 =	vmul.f32 v24, v28;
	v16 =	vmul.f32 v16, v36  }
0x8d: {  	v0 =	vsub.f32 $1.500000000e+00, v0;
	v53 =	vmul.f32 v30, v31;
	v21 =	vmul.f32 v21, v14  }
0x8e: {  	v50 =	vmul.f32 v33, v47;
	v33 =	vmul.f32 v52, v24;
	v16 =	vsub.f32 $1.500000000e+00, v16  }
0x8f: {  	v57 =	vmul.f32 v0, v22;
	v5 =	vmul.f32 v53, v30;
	v55 =	vsub.f32 $1.500000000e+00, v21  }
0x90: {  	v41 =	vld.idx.msk [tilespmem:v9+s10+$0x0], $0xffff;
	v6 =	vmul.f32 v50, v35;
	v33 =	vsub.f32 $1.500000000e+00, v33;
	v36 =	vmul.f32 v16, v36  }
0x91: {  	v39 =	vld.idx.msk [tilespmem:v1+s10+$0x0], $0xffff;
	v5 =	vsub.f32 $1.500000000e+00, v5;
	v16 =	vmul.f32 v55, v14;
	v14 =	vadd.s32 $0x190, v48  }
0x92: {  	v40 =	vld.idx.msk [tilespmem:v12+s10+$0x0], $0xffff;
	v56 =	vmul.f32 v6, v50;
	v6 =	vsub.f32 $1.500000000e+00, v3;
	v24 =	vmul.f32 v33, v24  }
0x93: {  	v42 =	vld.idx.msk [tilespmem:v48+s10+$0x0], $0xffff;
	v59 =	vadd.s32 $0x190, v9;
	v26 =	vmul.f32 v36, v26;
	v27 =	vmul.f32 v16, v27  }
0x94: {  	v43 =	vld.idx.msk [tilespmem:v11+s10+$0x0], $0xffff;
	v54 =	vadd.s32 $0x190, v4;
	v22 =	vmul.f32 v6, v23;
	v23 =	vmul.f32 v5, v30  }
0x95: {  	v21 =	vld.idx.msk [tilespmem:v4+s10+$0x0], $0xffff;
	v4 =	vsub.f32 $1.500000000e+00, v56;
	v30 =	vmul.f32 v57, v25;
	v28 =	vmul.f32 v24, v28  }
0x96: {  	v12 =	vadd.s32 $0x190, v12;
	v26 =	vmul.f32 v26, v36;
	v47 =	vld.idx.msk [tilespmem:v14+s10+$0x0], $0xffff;
	v14 =	vmul.f32 v27, v16  }
0x97: {  	v58 =	vadd.s32 $0x190, v7;
	v11 =	vld.idx.msk [tilespmem:v61+s10+$0x0], $0xffff;
	v25 =	vmul.f32 v4, v50;
	v29 =	vmul.f32 v22, v29  }
0x98: {  	v49 =	vld.idx.msk [tilespmem:v59+s10+$0x0], $0xffff;
	v6 =	vadd.s32 $0x190, v1;
	v31 =	vmul.f32 v23, v31;
	v30 =	vmul.f32 v30, v57  }
0x99: {  	v44 =	vld.idx.msk [tilespmem:v7+s10+$0x0], $0xffff;
	v62 =	vmul.f32 v28, v24;
	v60 =	vmul.f32 v25, v35  }
0x9a: {  	v46 =	vld.idx.msk [tilespmem:v54+s10+$0x0], $0xffff;
	v63 =	vsub.f32 $1.500000000e+00, v26;
	v27 =	vmul.f32 v29, v22;
	v29 =	vsub.f32 $1.500000000e+00, v30  }
0x9b: {  	v48 =	vld.idx.msk [tilespmem:v12+s10+$0x0], $0xffff;
	v28 =	vsub.f32 $1.500000000e+00, v14;
	v31 =	vmul.f32 v31, v23;
	v34 =	vmul.f32 v60, v25  }
0x9c: {  	s17 =	simm.s32 $0x11840;
	v12 =	vld.idx.msk [tilespmem:v58+s10+$0x0], $0xffff;
	v26 =	vmul.f32 v29, v57;
	v30 =	vsub.f32 $1.500000000e+00, v27;
	v29 =	vsub.f32 $1.500000000e+00, v62  }
0x9d: {  	s18 =	simm.s32 $0x0;
	s19 =	simm.s32 $0xCA80;
	s16 =	simm.s32 $0x11840;
	[tilespmem:s17+$0x30] =	vst v13;
	v45 =	vld.idx.msk [tilespmem:v6+s10+$0x0], $0xffff;
	v27 =	vmul.f32 v63, v36;
	v33 =	vsub.f32 $1.500000000e+00, v31;
	v32 =	vsub.f32 $1.500000000e+00, v34  }
.LBB2_2:
0x9e: {  	v31 =	vld [tilespmem:s19+$0xFFFFFFF0]  }
0x9f: {  	v35 =	vld [tilespmem:s19+$0xFFFFFFA0];
	v34 =	vmul.f32 v28, v16  }
0xa0: {  	v57 =	vld [tilespmem:s19+$0x30];
	v22 =	vmul.f32 v30, v22;
	v24 =	vmul.f32 v29, v24  }
0xa1: {  	v1 =	vld [tilespmem:s19+$0x40];
	v23 =	vmul.f32 v33, v23;
	v8 =	vmul.f32 v26, v8  }
0xa2: {  	v28 =	vld [tilespmem:s19+$0x0];
	v32 =	vmul.f32 v32, v25;
	v0 =	vmul.f32 v27, v10  }
0xa3: {  	v33 =	vld [tilespmem:s19+$0xFFFFFF90];
	v52 =	vmul.f32 v34, v15;
	v53 =	vmul.f32 v22, v17  }
0xa4: {  	v25 =	vld [tilespmem:s19+$0x10];
	v26 =	vsub.f32 v8, v21;
	v54 =	vmul.f32 v24, v18;
	v55 =	vmul.f32 v23, v19  }
0xa5: {  	v30 =	vld [tilespmem:s19+$0x70];
	v56 =	vmul.f32 v32, v20;
	v10 =	vshll.u32 v31, $0x2;
	v18 =	vand.u32 $0x7F, v31  }
0xa6: {  	v34 =	vld [tilespmem:s19+$0xFFFFFFB0];
	v37 =	vshll.u32 v35, $0x2;
	v4 =	vshll.u32 v57, $0x2;
	v51 =	vand.u32 $0x7F, v35  }
0xa7: {  	v23 =	vld [tilespmem:s19+$0x20];
	[tilespmem:$0x1FF60] =	vst v55;
	v55 =	vand.u32 $0x7F, v57;
	v10 =	vand.u32 $0xFFFFFE00, v10;
	v21 =	vshll.u32 v28, $0x2  }
0xa8: {  	v22 =	vshll.u32 v33, $0x2;
	v37 =	vand.u32 $0xFFFFFE00, v37;
	v20 =	vor.u32 v18, v10;
	v18 =	vld [tilespmem:s19+$0xFFFFFFC0]  }
0xa9: {  	v32 =	vand.u32 $0xFFFFFE00, v21;
	v21 =	vshll.u32 v25, $0x2;
	v37 =	vor.u32 v51, v37;
	v51 =	vld [tilespmem:s19+$0xFFFFFF80]  }
0xaa: {  	[tilespmem:$0x1FF40] =	vst v44;
	v27 =	vmovc v39;
	v61 =	vand.u32 $0x7F, v33;
	v22 =	vand.u32 $0xFFFFFE00, v22;
	v39 =	vand.u32 $0xFFFFFE00, v21;
	v21 =	vld [tilespmem:s19+$0xFFFFFFD0]  }
0xab: {  	[tilespmem:$0x1FFB0] =	vst v47;
	v19 =	vshll.u32 v30, $0x2;
	v44 =	vand.u32 $0xFFFFFE00, v4;
	v47 =	vor.u32 v61, v22;
	v22 =	vld [tilespmem:s19+$0x60]  }
0xac: {  	[tilespmem:$0x1FF90] =	vst v43;
	v10 =	vand.u32 $0x7F, v30;
	v19 =	vand.u32 $0xFFFFFE00, v19;
	v43 =	vor.u32 v55, v44;
	v31 =	vld.idx.msk [tilespmem:v31+s9+$0x0], $0xffff  }
0xad: {  	v24 =	vor.u32 v10, v19;
	v30 =	vld.idx.msk [tilespmem:v30+s9+$0x0], $0xffff  }
0xae: {  	v36 =	vor.u32 $0x80, v20;
	v8 =	vld.idx.msk [tilespmem:v34+s9+$0x0], $0xffff  }
0xaf: {  	[tilespmem:$0x1FF20] =	vst v40;
	v62 =	vshll.u32 v1, $0x2;
	v58 =	vshll.u32 v23, $0x2;
	v59 =	vor.u32 $0x100, v20;
	v3 =	vld.idx.msk [tilespmem:v20+s4+$0x0], $0xffff  }
0xb0: {  	[tilespmem:$0x1FFC0] =	vst v48;
	v48 =	vand.u32 $0xFFFFFE00, v62;
	v40 =	vand.u32 $0xFFFFFE00, v58;
	v58 =	vand.u32 $0x7F, v1;
	v55 =	vld.idx.msk [tilespmem:v37+s4+$0x0], $0xffff  }
0xb1: {  	v6 =	vor.u32 $0x80, v43;
	v48 =	vor.u32 v58, v48;
	v58 =	vld.idx.msk [tilespmem:v43+s4+$0x0], $0xffff  }
0xb2: {  	v38 =	vor.u32 $0x80, v24;
	v5 =	vld.idx.msk [tilespmem:v24+s4+$0x0], $0xffff  }
0xb3: {  	[tilespmem:$0x1FF70] =	vst v41;
	v36 =	vld.idx.msk [tilespmem:v36+s4+$0x0], $0xffff  }
0xb4: {  	[tilespmem:$0x1FF00] =	vst v52;
	v52 =	vand.u32 $0x7F, v23;
	v41 =	vld.idx.msk [tilespmem:v59+s4+$0x0], $0xffff  }
0xb5: {  	v63 =	vand.u32 $0x7F, v25;
	v40 =	vor.u32 v52, v40;
	v52 =	vld.idx.msk [tilespmem:v47+s4+$0x0], $0xffff  }
0xb6: {  	[tilespmem:$0x1FFD0] =	vst v49;
	v2 =	vshll.u32 v34, $0x2;
	v49 =	vor.u32 v63, v39;
	v6 =	vld.idx.msk [tilespmem:v6+s4+$0x0], $0xffff  }
0xb7: {  	[tilespmem:$0x1FF30] =	vst v54;
	v63 =	vor.u32 $0x80, v47;
	v20 =	vor.u32 $0x100, v24;
	v24 =	vand.u32 $0x7F, v28;
	v38 =	vld.idx.msk [tilespmem:v38+s4+$0x0], $0xffff  }
0xb8: {  	v29 =	vmovc v42;
	[tilespmem:$0x1FFE0] =	vst v57;
	v54 =	vand.u32 $0x7F, v34;
	v42 =	vand.u32 $0xFFFFFE00, v2;
	v57 =	vor.u32 v24, v32;
	v24 =	vld [tilespmem:s19+$0xFFFFFFE0]  }
0xb9: {  	v42 =	vor.u32 v54, v42;
	v32 =	vld.idx.msk [tilespmem:v33+s9+$0x0], $0xffff  }
0xba: {  	v33 =	vld.idx.msk [tilespmem:v35+s9+$0x0], $0xffff  }
0xbb: {  	[tilespmem:$0x1FF50] =	vst v46;
	v60 =	vshll.u32 v18, $0x2;
	v54 =	vld.idx.msk [tilespmem:v49+s4+$0x0], $0xffff  }
0xbc: {  	[tilespmem:$0x1FF80] =	vst v56;
	v56 =	vand.u32 $0x7F, v18;
	v46 =	vand.u32 $0xFFFFFE00, v60;
	v63 =	vld.idx.msk [tilespmem:v63+s4+$0x0], $0xffff  }
0xbd: {  	v19 =	vmov v11;
	v11 =	vor.u32 $0x80, v48;
	v44 =	vor.u32 v56, v46;
	v56 =	vld.idx.msk [tilespmem:v40+s4+$0x0], $0xffff  }
0xbe: {  	v50 =	vshll.u32 v21, $0x2;
	v62 =	vld.idx.msk [tilespmem:v42+s4+$0x0], $0xffff  }
0xbf: {  	[tilespmem:$0x1FF10] =	vst v53;
	v59 =	vand.u32 $0x7F, v21;
	v50 =	vand.u32 $0xFFFFFE00, v50;
	v53 =	vld.idx.msk [tilespmem:v20+s4+$0x0], $0xffff  }
0xc0: {  	v61 =	vand.u32 $0x7F, v22;
	v50 =	vor.u32 v59, v50;
	v20 =	vld [tilespmem:s19+$0x50]  }
0xc1: {  	v17 =	vmovc v12;
	v7 =	vor.u32 $0x80, v44;
	v9 =	vld.idx.msk [tilespmem:v48+s4+$0x0], $0xffff;
	v12 =	vor.u32 $0x80, v50;
	v2 =	vsub.f32 v3, v5  }
0xc2: {  	[tilespmem:$0x1FFF0] =	vst v1;
	v11 =	vld.idx.msk [tilespmem:v11+s4+$0x0], $0xffff;
	v36 =	vsub.f32 v36, v38;
	v1 =	vshll.u32 v24, $0x2;
	v60 =	vand.u32 $0x7F, v24  }
0xc3: {  	v21 =	vld.idx.msk [tilespmem:v21+s9+$0x0], $0xffff;
	v52 =	vsub.f32 v52, v54;
	v4 =	vmul.f32 v2, v2;
	v2 =	vshll.u32 v22, $0x2  }
0xc4: {  	v54 =	vld [tilespmem:$0x1FF20];
	v46 =	vand.u32 $0xFFFFFE00, v1;
	v36 =	vmul.f32 v36, v36;
	v3 =	vsub.f32 v41, v53  }
0xc5: {  	[tilespmem:$0x1FEF0] =	vst v0;
	v10 =	vld.idx.msk [tilespmem:v50+s4+$0x0], $0xffff;
	v5 =	vand.u32 $0x7F, v20;
	v0 =	vshll.u32 v20, $0x2;
	v53 =	vand.u32 $0xFFFFFE00, v2  }
0xc6: {  	v7 =	vld.idx.msk [tilespmem:v7+s4+$0x0], $0xffff;
	v36 =	vadd.f32 v36, v4;
	v39 =	vor.u32 v61, v53;
	v61 =	vor.u32 $0x80, v57  }
0xc7: {  	[tilespmem:$0x1FFA0] =	vst v45;
	v12 =	vld.idx.msk [tilespmem:v12+s4+$0x0], $0xffff;
	v45 =	vand.u32 $0xFFFFFE00, v0;
	v4 =	vand.u32 $0x7F, v51;
	v0 =	vor.u32 $0x80, v49  }
0xc8: {  	v41 =	vld.idx.msk [tilespmem:v57+s4+$0x0], $0xffff;
	v35 =	vmul.f32 v3, v3;
	v3 =	vshll.u32 v51, $0x2;
	v1 =	vor.u32 $0x80, v39  }
0xc9: {  	v45 =	vor.u32 v5, v45;
	v51 =	vld.idx.msk [tilespmem:v51+s9+$0x0], $0xffff;
	v38 =	vand.u32 $0xFFFFFE00, v3;
	v3 =	vor.u32 $0x80, v37  }
0xca: {  	v35 =	vadd.f32 v35, v36;
	v36 =	vor.u32 v4, v38;
	v38 =	vor.u32 v60, v46;
	v46 =	vld.idx.msk [tilespmem:v44+s4+$0x0], $0xffff  }
0xcb: {  	v13 =	vor.u32 $0x80, v45;
	v61 =	vld.idx.msk [tilespmem:v61+s4+$0x0], $0xffff  }
0xcc: {  	v37 =	vor.u32 $0x100, v37;
	v0 =	vld.idx.msk [tilespmem:v0+s4+$0x0], $0xffff  }
0xcd: {  	v1 =	vld.idx.msk [tilespmem:v1+s4+$0x0], $0xffff  }
0xce: {  	v7 =	vsub.f32 v7, v11;
	v4 =	vor.u32 $0x80, v40;
	v11 =	vld.idx.msk [tilespmem:v45+s4+$0x0], $0xffff  }
0xcf: {  	v60 =	vor.u32 $0x80, v36;
	v3 =	vld.idx.msk [tilespmem:v3+s4+$0x0], $0xffff  }
0xd0: {  	v14 =	vor.u32 $0x80, v38;
	v35 =	vadd.f32 $9.999999960e-13, v35;
	v13 =	vld.idx.msk [tilespmem:v13+s4+$0x0], $0xffff  }
0xd1: {  	v37 =	vld.idx.msk [tilespmem:v37+s4+$0x0], $0xffff  }
0xd2: {  	v5 =	vshrl.u32 v35, $0x1;
	v59 =	vmul.f32 $5.000000000e-01, v35;
	v2 =	vld.idx.msk [tilespmem:v36+s4+$0x0], $0xffff  }
0xd3: {  	v53 =	vsub.s32 $0x5F3759DF, v5;
	v5 =	vor.u32 $0x80, v42;
	v4 =	vld.idx.msk [tilespmem:v4+s4+$0x0], $0xffff  }
0xd4: {  	v36 =	vor.u32 $0x100, v36;
	v34 =	vmul.f32 v53, v59;
	v60 =	vld.idx.msk [tilespmem:v60+s4+$0x0], $0xffff  }
0xd5: {  	v14 =	vld.idx.msk [tilespmem:v14+s4+$0x0], $0xffff;
	v0 =	vsub.f32 v63, v0  }
0xd6: {  	v31 =	vmul.u32 $0x14, v31;
	v63 =	vld [tilespmem:$0x1FF00];
	v34 =	vmul.f32 v53, v34  }
0xd7: {  	v52 =	vmul.f32 v52, v52;
	v10 =	vsub.f32 v10, v11;
	v11 =	vld [tilespmem:$0x1FF80];
	v0 =	vmul.f32 v0, v0  }
0xd8: {  	v15 =	vor.u32 $0x100, v44;
	v34 =	vsub.f32 $1.500000000e+00, v34;
	v5 =	vld.idx.msk [tilespmem:v5+s4+$0x0], $0xffff  }
0xd9: {  	v30 =	vadd.s32 v30, v31;
	v62 =	vsub.f32 v62, v58;
	v36 =	vld.idx.msk [tilespmem:v36+s4+$0x0], $0xffff;
	v0 =	vadd.f32 v0, v52  }
0xda: {  	v52 =	vmul.f32 v7, v7;
	v7 =	vsub.f32 v12, v13;
	v12 =	vld.idx.msk [tilespmem:v38+s4+$0x0], $0xffff;
	v53 =	vmul.f32 v53, v34  }
0xdb: {  	v41 =	vsub.f32 v2, v41;
	v2 =	vor.u32 $0x100, v39;
	v3 =	vsub.f32 v3, v4;
	v13 =	vld.idx.msk [tilespmem:v39+s4+$0x0], $0xffff  }
0xdc: {  	v60 =	vsub.f32 v60, v61;
	v61 =	vsub.f32 v55, v56;
	v55 =	vld [tilespmem:$0x1FF30];
	v44 =	vmul.f32 v53, v59  }
0xdd: {  	v1 =	vsub.f32 v14, v1;
	v14 =	vld [tilespmem:$0x1FF60];
	v41 =	vmul.f32 v41, v41;
	v3 =	vmul.f32 v3, v3  }
0xde: {  	v29 =	vsub.f32 v63, v29;
	v63 =	vld [tilespmem:$0x1FFB0];
	v56 =	vmul.f32 v60, v60;
	v44 =	vmul.f32 v44, v53  }
0xdf: {  	v58 =	vmul.f32 v61, v61;
	v60 =	vadd.s32 $0x190, v30;
	v5 =	vsub.f32 v5, v6;
	v6 =	vld.idx.msk [tilespmem:v30+s10+$0x0], $0xffff  }
0xe0: {  	v41 =	vadd.f32 v56, v41;
	v56 =	vld [tilespmem:$0x1FF40];
	v44 =	vsub.f32 $1.500000000e+00, v44  }
0xe1: {  	v9 =	vsub.f32 v46, v9;
	v3 =	vadd.f32 v3, v58;
	v58 =	vld [tilespmem:$0x1FF70]  }
0xe2: {  	v16 =	vor.u32 $0x100, v50;
	v2 =	vld.idx.msk [tilespmem:v2+s4+$0x0], $0xffff;
	v44 =	vmul.f32 v44, v53  }
0xe3: {  	v57 =	vor.u32 $0x100, v57;
	v9 =	vmul.f32 v9, v9;
	v12 =	vsub.f32 v12, v13;
	v13 =	vld [tilespmem:$0x1FFC0]  }
0xe4: {  	v49 =	vor.u32 $0x100, v49;
	v10 =	vmul.f32 v10, v10;
	v30 =	vld.idx.msk [tilespmem:v60+s10+$0x0], $0xffff;
	v31 =	vmul.f32 v44, v59  }
0xe5: {  	v50 =	vor.u32 $0x100, v38;
	v7 =	vmul.f32 v7, v7;
	v1 =	vmul.f32 v1, v1;
	v60 =	vld [tilespmem:$0x1FF90]  }
0xe6: {  	v34 =	vor.u32 $0x100, v40;
	v12 =	vmul.f32 v12, v12;
	v53 =	vld [tilespmem:$0x1FF10];
	v61 =	vmul.f32 v31, v44  }
0xe7: {  	v5 =	vmul.f32 v5, v5;
	v38 =	vsub.f32 v55, v56;
	v59 =	vmul.f32 v62, v62;
	v62 =	vld [tilespmem:$0x1FEF0]  }
0xe8: {  	v1 =	vadd.f32 v1, v12;
	v12 =	vld.idx.msk [tilespmem:v16+s4+$0x0], $0xffff;
	v31 =	vmul.u32 $0x14, v8;
	v8 =	vsub.f32 $1.500000000e+00, v61  }
0xe9: {  	v40 =	vor.u32 $0x100, v45;
	v7 =	vadd.f32 v7, v10;
	v10 =	vmul.f32 v38, v17;
	v17 =	vld [tilespmem:$0x1FFD0]  }
0xea: {  	v4 =	vadd.f32 v5, v59;
	v5 =	vadd.f32 v52, v9;
	v9 =	vld.idx.msk [tilespmem:v57+s4+$0x0], $0xffff;
	v8 =	vmul.f32 v8, v44  }
0xeb: {  	v47 =	vor.u32 $0x100, v47;
	v61 =	vld.idx.msk [tilespmem:v49+s4+$0x0], $0xffff  }
0xec: {  	v14 =	vsub.f32 v14, v58;
	v27 =	vsub.f32 v62, v27;
	v62 =	vld [tilespmem:$0x1FFA0];
	v8 =	vmul.f32 v8, v35  }
0xed: {  	v43 =	vor.u32 $0x100, v43;
	v46 =	vmul.f32 v29, v63;
	v35 =	vsub.f32 v53, v54;
	v54 =	vld.idx.msk [tilespmem:v50+s4+$0x0], $0xffff  }
0xee: {  	v49 =	vmul.f32 v14, v17;
	v6 =	vsub.f32 v8, v6;
	v8 =	vld [tilespmem:$0x1FF50]  }
0xef: {  	v48 =	vor.u32 $0x100, v48;
	v32 =	vmul.u32 $0x14, v32;
	v16 =	vmul.f32 v46, v29;
	v29 =	vld.idx.msk [tilespmem:v40+s4+$0x0], $0xffff  }
0xf0: {  	v42 =	vor.u32 $0x100, v42;
	v59 =	vld.idx.msk [tilespmem:v47+s4+$0x0], $0xffff;
	v9 =	vsub.f32 v36, v9;
	v14 =	vmul.f32 v49, v14  }
0xf1: {  	v33 =	vmul.u32 $0x14, v33;
	v34 =	vld.idx.msk [tilespmem:v34+s4+$0x0], $0xffff;
	v11 =	vsub.f32 v11, v60;
	v55 =	vmul.f32 v10, v38  }
0xf2: {  	v51 =	vmul.u32 $0x14, v51;
	v52 =	vld.idx.msk [tilespmem:v43+s4+$0x0], $0xffff;
	v9 =	vmul.f32 v9, v9;
	[tilespmem:s16+$0x10] =	vst v14;
	v30 =	vmul.f32 v6, v30  }
0xf3: {  	v45 =	vmul.f32 v27, v62;
	v14 =	vld.idx.msk [tilespmem:v20+s9+$0x0], $0xffff;
	v2 =	vsub.f32 v54, v2;
	v8 =	vmul.f32 v26, v8  }
0xf4: {  	v12 =	vsub.f32 v12, v29;
	v53 =	vld.idx.msk [tilespmem:v48+s4+$0x0], $0xffff;
	v13 =	vmul.f32 v35, v13;
	v6 =	vmul.f32 v30, v6  }
0xf5: {  	s17 =	sadd.s32 $0x80, s17;
	v30 =	vld.idx.msk [tilespmem:v42+s4+$0x0], $0xffff;
	v2 =	vmul.f32 v2, v2;
	v8 =	vmul.f32 v8, v26;
	v26 =	vsub.f32 v59, v61  }
0xf6: {  	v49 =	vmul.u32 $0x14, v21;
	v9 =	vadd.f32 v9, v41;
	v13 =	vmul.f32 v13, v35;
	[tilespmem:s17+$0x30] =	vst v6;
	v6 =	vld.idx.msk [tilespmem:v15+s4+$0x0], $0xffff  }
0xf7: {  	v15 =	vmul.f32 v11, v19;
	v1 =	vadd.f32 v2, v1;
	v26 =	vmul.f32 v26, v26  }
0xf8: {  	v14 =	vadd.s32 v14, v49;
	[tilespmem:s16+$0xFFFFFFC0] =	vst v8;
	v8 =	vmul.f32 v45, v27;
	v27 =	vsub.f32 v37, v34  }
0xf9: {  	v56 =	vld.idx.msk [tilespmem:v24+s9+$0x0], $0xffff;
	[tilespmem:s16+$0xFFFFFFE0] =	vst v16;
	v16 =	vmul.f32 v15, v11;
	v20 =	vadd.f32 $9.999999960e-13, v1;
	v0 =	vadd.f32 v26, v0  }
0xfa: {  	v57 =	vld.idx.msk [tilespmem:v23+s9+$0x0], $0xffff;
	[tilespmem:s16+$0xFFFFFFD0] =	vst v8;
	v10 =	vmul.f32 v27, v27;
	v26 =	vsub.f32 v30, v52;
	v8 =	vadd.f32 $9.999999960e-13, v9  }
0xfb: {  	v24 =	vld.idx.msk [tilespmem:v28+s9+$0x0], $0xffff;
	v6 =	vsub.f32 v6, v53;
	v30 =	vshrl.u32 v20, $0x1;
	v63 =	vmul.f32 $5.000000000e-01, v20  }
0xfc: {  	[tilespmem:s16+$0x20] =	vst v16;
	v27 =	vld.idx.msk [tilespmem:v18+s9+$0x0], $0xffff;
	v30 =	vsub.s32 $0x5F3759DF, v30;
	v3 =	vadd.f32 v10, v3;
	v11 =	vmul.f32 v26, v26  }
0xfd: {  	v60 =	vld.idx.msk [tilespmem:v22+s9+$0x0], $0xffff;
	v26 =	vshrl.u32 v8, $0x1;
	v9 =	vmul.f32 $5.000000000e-01, v8;
	v10 =	vadd.f32 $9.999999960e-13, v0  }
0xfe: {  	[tilespmem:s16+$0xFFFFFFF0] =	vst v13;
	v13 =	vld [tilespmem:$0x1FFE0];
	v6 =	vmul.f32 v6, v6;
	v50 =	vmul.f32 v30, v63;
	v0 =	vmul.u32 $0x14, v56  }
0xff: {  	v4 =	vadd.f32 v11, v4;
	v28 =	vshrl.u32 v10, $0x1;
	v11 =	vmul.f32 $5.000000000e-01, v10  }
0x100: {  	v25 =	vld.idx.msk [tilespmem:v25+s9+$0x0], $0xffff;
	v15 =	vadd.f32 $9.999999960e-13, v3;
	v5 =	vadd.f32 v6, v5;
	v6 =	vmul.f32 v12, v12  }
0x101: {  	v24 =	vadd.s32 v24, v51;
	v40 =	vmul.f32 v30, v50;
	v3 =	vadd.s32 v57, v33  }
0x102: {  	v61 =	vsub.s32 $0x5F3759DF, v28;
	v27 =	vmul.u32 $0x14, v27;
	v0 =	vadd.s32 v60, v0  }
0x103: {  	v23 =	vshrl.u32 v15, $0x1;
	v12 =	vmul.f32 $5.000000000e-01, v15;
	v17 =	vadd.f32 $9.999999960e-13, v4  }
0x104: {  	v18 =	vadd.f32 $9.999999960e-13, v5;
	v59 =	vadd.f32 v6, v7;
	v6 =	vsub.s32 $0x5F3759DF, v26  }
0x105: {  	v45 =	vmul.f32 v61, v11;
	v54 =	vsub.f32 $1.500000000e+00, v40;
	v25 =	vadd.s32 v25, v32  }
0x106: {  	v29 =	vld.idx.msk [tilespmem:v13+s9+$0x0], $0xffff;
	v22 =	vsub.s32 $0x5F3759DF, v23;
	v7 =	vshrl.u32 v17, $0x1;
	v13 =	vmul.f32 $5.000000000e-01, v17  }
0x107: {  	v19 =	vadd.f32 $9.999999960e-13, v59;
	v26 =	vmul.f32 $5.000000000e-01, v18;
	v46 =	vmul.f32 v22, v12  }
0x108: {  	v16 =	vshrl.u32 v18, $0x1;
	v35 =	vmul.f32 v61, v45;
	v30 =	vmul.f32 v30, v54  }
0x109: {  	v62 =	vsub.s32 $0x5F3759DF, v7;
	v7 =	vsub.s32 $0x5F3759DF, v16;
	v28 =	vmul.f32 $5.000000000e-01, v19  }
0x10a: {  	v58 =	vld [tilespmem:$0x1FFF0];
	v23 =	vshrl.u32 v19, $0x1;
	v47 =	vmul.f32 v62, v13;
	v48 =	vmul.f32 v7, v26  }
0x10b: {  	v36 =	vmul.f32 v22, v46;
	v57 =	vmul.f32 v30, v63;
	v16 =	vsub.s32 $0x5F3759DF, v23  }
0x10c: {  	v35 =	vsub.f32 $1.500000000e+00, v35;
	v23 =	vmul.f32 v6, v9;
	v21 =	vmul.f32 v16, v28  }
0x10d: {  	v39 =	vld.idx.msk [tilespmem:v25+s10+$0x0], $0xffff;
	v25 =	vadd.s32 $0x190, v25;
	v37 =	vmul.f32 v62, v47;
	v38 =	vmul.f32 v7, v48  }
0x10e: {  	v36 =	vsub.f32 $1.500000000e+00, v36;
	v2 =	vmul.f32 v61, v35;
	v5 =	vmul.f32 v57, v30  }
0x10f: {  	v23 =	vmul.f32 v6, v23;
	v21 =	vmul.f32 v16, v21;
	v52 =	vsub.f32 $1.500000000e+00, v38  }
0x110: {  	v29 =	vadd.s32 v29, v31;
	v22 =	vmul.f32 v22, v36;
	v31 =	vmul.f32 v2, v11  }
0x111: {  	[tilespmem:s16+$0x0] =	vst v55;
	v5 =	vsub.f32 $1.500000000e+00, v5;
	v23 =	vsub.f32 $1.500000000e+00, v23;
	v7 =	vmul.f32 v7, v52  }
0x112: {  	v4 =	vld.idx.msk [tilespmem:v58+s9+$0x0], $0xffff;
	v53 =	vsub.f32 $1.500000000e+00, v21;
	v55 =	vmul.f32 v22, v12;
	v31 =	vmul.f32 v31, v2  }
0x113: {  	v45 =	vld.idx.msk [tilespmem:v25+s10+$0x0], $0xffff;
	v25 =	vmul.f32 v5, v30;
	v6 =	vmul.f32 v6, v23;
	v23 =	vsub.f32 $1.500000000e+00, v37  }
0x114: {  	v58 =	vadd.s32 $0x190, v29;
	v56 =	vmul.f32 v7, v26;
	v32 =	vmul.f32 v55, v22  }
0x115: {  	v31 =	vsub.f32 $1.500000000e+00, v31;
	v1 =	vmul.f32 v62, v23;
	v23 =	vmul.f32 v16, v53  }
0x116: {  	v21 =	vld.idx.msk [tilespmem:v24+s10+$0x0], $0xffff;
	v24 =	vadd.s32 $0x190, v24;
	v16 =	vmul.f32 v6, v9;
	v33 =	vmul.f32 v56, v7  }
0x117: {  	v4 =	vadd.s32 v4, v27;
	v2 =	vmul.f32 v31, v2;
	v27 =	vmul.f32 v1, v13  }
0x118: {  	v35 =	vmul.f32 v23, v28;
	v16 =	vmul.f32 v16, v6;
	v33 =	vsub.f32 $1.500000000e+00, v33  }
0x119: {  	v41 =	vld.idx.msk [tilespmem:v14+s10+$0x0], $0xffff;
	v59 =	vmul.f32 v2, v11;
	v11 =	vadd.s32 $0x190, v14;
	v14 =	vmul.f32 v25, v63  }
0x11a: {  	v32 =	vsub.f32 $1.500000000e+00, v32;
	v27 =	vmul.f32 v27, v1;
	v35 =	vmul.f32 v35, v23  }
0x11b: {  	v46 =	vld.idx.msk [tilespmem:v24+s10+$0x0], $0xffff;
	v16 =	vsub.f32 $1.500000000e+00, v16;
	v24 =	vmul.f32 v33, v7;
	v5 =	vmul.f32 v59, v2  }
0x11c: {  	v63 =	vmul.f32 v14, v25;
	v27 =	vsub.f32 $1.500000000e+00, v27;
	v31 =	vsub.f32 $1.500000000e+00, v35  }
0x11d: {  	v42 =	vld.idx.msk [tilespmem:v3+s10+$0x0], $0xffff;
	v3 =	vadd.s32 $0x190, v3;
	v6 =	vmul.f32 v16, v6;
	v16 =	vmul.f32 v32, v22  }
0x11e: {  	v43 =	vld.idx.msk [tilespmem:v0+s10+$0x0], $0xffff;
	v22 =	vmul.f32 v27, v1;
	v23 =	vmul.f32 v31, v23  }
0x11f: {  	s18 =	sadd.s32 $0x80, s18;
	v0 =	vadd.s32 $0x190, v0;
	v40 =	vld.idx.msk [tilespmem:v29+s10+$0x0], $0xffff;
	v7 =	vmul.f32 v6, v9;
	v9 =	vmul.f32 v16, v12  }
0x120: {  	p0 =	slt.u32 s18, $0x2700;
	v44 =	vld.idx.msk [tilespmem:v4+s10+$0x0], $0xffff;
	v4 =	vadd.s32 $0x190, v4;
	v12 =	vmul.f32 v22, v13;
	v13 =	vmul.f32 v24, v26  }
.Ltmp0:
0x121: {  	v48 =	vld.idx.msk [tilespmem:v58+s10+$0x0], $0xffff;
	v5 =	vsub.f32 $1.500000000e+00, v5;
	v60 =	vmul.f32 v23, v28;
	v7 =	vmul.f32 v7, v6;
	(pc) =	sbr.rel @p0 .LBB2_2-.Ltmp0, $4  }
0x122: {  	v47 =	vld.idx.msk [tilespmem:v3+s10+$0x0], $0xffff;
	v32 =	vsub.f32 $1.500000000e+00, v63;
	v61 =	vmul.f32 v9, v16;
	v9 =	vmul.f32 v12, v22  }
0x123: {  	v49 =	vld.idx.msk [tilespmem:v11+s10+$0x0], $0xffff;
	v62 =	vsub.f32 $1.500000000e+00, v7;
	v7 =	vmul.f32 v13, v24;
	v3 =	vmul.f32 v60, v23  }
0x124: {  	v11 =	vld.idx.msk [tilespmem:v0+s10+$0x0], $0xffff;
	v27 =	vmul.f32 v5, v2;
	v28 =	vsub.f32 $1.500000000e+00, v61;
	v30 =	vsub.f32 $1.500000000e+00, v9  }
0x125: {  	s19 =	sadd.s32 $0x100, s19;
	s16 =	smov.u32 s17;
	v12 =	vld.idx.msk [tilespmem:v4+s10+$0x0], $0xffff;
	v26 =	vmul.f32 v62, v6;
	v29 =	vsub.f32 $1.500000000e+00, v7;
	v33 =	vsub.f32 $1.500000000e+00, v3  }
0x126: {  	v0 =	vmul.f32 v28, v16;
	v1 =	vmul.f32 v30, v22  }
0x127: {  	v5 =	vmul.f32 v27, v10;
	v6 =	vmul.f32 v32, v25  }
0x128: {  	v2 =	vmul.f32 v29, v24;
	v3 =	vmul.f32 v26, v8  }
0x129: {  	v4 =	vmul.f32 v33, v23;
	v0 =	vmul.f32 v0, v15;
	v5 =	vsub.f32 v5, v39  }
0x12a: {  	v1 =	vmul.f32 v1, v17;
	v6 =	vmul.f32 v6, v20;
	v3 =	vsub.f32 v3, v21  }
0x12b: {  	v2 =	vmul.f32 v2, v18;
	v0 =	vsub.f32 v0, v42;
	v57 =	vmul.f32 v5, v45  }
0x12c: {  	v4 =	vmul.f32 v4, v19;
	v1 =	vsub.f32 v1, v40;
	v7 =	vmul.f32 v3, v46  }
0x12d: {  	v6 =	vsub.f32 v6, v43;
	v9 =	vmul.f32 v0, v47;
	v5 =	vmul.f32 v57, v5  }
0x12e: {  	v2 =	vsub.f32 v2, v44;
	v58 =	vmul.f32 v1, v48;
	v3 =	vmul.f32 v7, v3  }
0x12f: {  	v4 =	vsub.f32 v4, v41;
	v61 =	vmul.f32 v6, v11;
	v0 =	vmul.f32 v9, v0;
	[tilespmem:s16+$0xFFFFFFD0] =	vst v5  }
0x130: {  	v59 =	vmul.f32 v2, v12;
	v1 =	vmul.f32 v58, v1;
	[tilespmem:s16+$0xFFFFFFC0] =	vst v3  }
0x131: {  	v60 =	vmul.f32 v4, v49;
	v63 =	vmul.f32 v61, v6;
	[tilespmem:s16+$0xFFFFFFE0] =	vst v0  }
0x132: {  	v2 =	vmul.f32 v59, v2;
	[tilespmem:s16+$0xFFFFFFF0] =	vst v1  }
0x133: {  	s15 =	sadd.s32 $0x1, s15;
	v62 =	vmul.f32 v60, v4;
	[tilespmem:s16+$0x20] =	vst v63  }
0x134: {  	p0 =	sne.s32 s15, s8;
	[tilespmem:s16+$0x0] =	vst v2  }
.Ltmp1:
0x135: {  	[tilespmem:s16+$0x10] =	vst v62;
	(pc) =	sbr.rel @p0 .LBB2_1-.Ltmp1, $4  }
0x136: {  	[hbm4b:s7+s4] =	stream.linear.scatter [tilespmem:s13], [sflag:$0x2], $0x2780, $0x38;
	[tilespmem:$0x13F80] =	vst v63  }
0x137: {  	_ =	swait.ge [sflag:s14], $0x2780  }
0x138: {  	[sflag:s14] =	ssyncset.done $0x0  }
0x139: {  	[sflag:s14] =	ssyncadd.s32 $0xFFFFD880  }
0x13a: {  	_ =	sfence.sel $0x180000  }
0x13b: {  	[bflag:$0x0] =	sbarrier.arrive $0xFFFF  }
0x13c: {  	p0 =	sne.s32 s1, $0x0;
	_ =	strace $0x90000047  }
0x13d: {  	s0 =	sadd.s32 @!p0 $0x100000, s3;
	[bflag:$0x2] =	sbarrier.arrive $0xFFFF  }
0x13e: {  	[sflag:s0] =	ssyncadd.tile.s32 @!p0 $0x1;
	_ =	shalt  }
.Lfunc_end2:
_tile_overlayer_lowered:
.L_overlay_start_2:
0x13f: {  	(tag) =	ssettag $0x2  }
0x140: {  	s0 =	rddreg [dreg:$0x0];
	s2 =	stileid.u32  }
0x141: {  	s1 =	rddreg [dreg:$0x1];
	p0 =	sne.s32 s2, $0x0  }
0x142: {  	s3 =	rddreg [dreg:$0x2];
	[bflag:$0x3] =	sbarrier.arrive $0xFFFF;
	s2 =	simm.s32 @!p0 $0x1C02  }
0x143: {  	[timem:s3], [sflag:s2] =	dma.local @!p0 [hbm:s0], s1  }
0x144: {  	s0 =	simm.s32 @!p0 $0x2  }
0x145: {  	_ =	swait.ge @!p0 [sflag:s0], s1  }
0x146: {  	s1 =	ssub.s32 @!p0 $0x0, s1;
	[sflag:s0] =	ssyncset.done @!p0 $0x0  }
0x147: {  	[sflag:s0] =	ssyncadd.s32 @!p0 s1  }
0x148: {  	[bflag:$0x3] =	sbarrier.arrive $0xFFFF  }
0x149: {  	_ =	shalt  }

</sc_bundles>
